<compile_context>
chip_gen: v7x
topology: tpu7x:2x2x1
jax: 0.10.2.dev20260603
libtpu: 0.0.44.dev20260713+nightly
codegen_flags: <defaults>
</compile_context>

<pallas_src>
import functools

import jax
import jax.numpy as jnp
from jax import lax
from jax.experimental import pallas as pl
from jax.experimental.pallas import tpu as pltpu
from jax.experimental.pallas import tpu_sc as plsc

N_ROWS = 100000
D = 256
B = 120000

NC, NS = 2, 16
NW = NC * NS
CHUNK = 128
B_PAD = 122880
PER_W = B_PAD // NW
NCHUNK = PER_W // CHUNK

NBUF = 3


def _gather_kernel(local_hbm, idx_hbm, out_hbm, *scratch):
    idxb = list(scratch[:NBUF])
    rows = list(scratch[NBUF:2 * NBUF])
    isem = list(scratch[2 * NBUF:3 * NBUF])
    gsem = list(scratch[3 * NBUF:4 * NBUF])
    wsem = list(scratch[4 * NBUF:5 * NBUF])
    wid = lax.axis_index("s") * NC + lax.axis_index("c")
    base = pl.multiple_of(wid * PER_W, 256)

    def idxcopy(c, b):
        off = pl.multiple_of(base + c * CHUNK, CHUNK)
        pltpu.async_copy(idx_hbm.at[pl.ds(off, CHUNK)], idxb[b], isem[b])

    def gather(c, b):
        del c
        pltpu.async_copy(local_hbm.at[idxb[b]], rows[b], gsem[b])

    def draini(b):
        pltpu.make_async_copy(idx_hbm.at[pl.ds(0, CHUNK)], idxb[b],
                              isem[b]).wait()

    def draing(b):
        pltpu.make_async_copy(local_hbm.at[pl.ds(0, CHUNK)], rows[b],
                              gsem[b]).wait()

    def drainw(b):
        pltpu.make_async_copy(local_hbm.at[pl.ds(0, CHUNK)], rows[b],
                              wsem[b]).wait()

    def writeback(c, b):
        row0 = pl.multiple_of(base + c * CHUNK, CHUNK)
        pltpu.async_copy(rows[b], out_hbm.at[pl.ds(row0, CHUNK)], wsem[b])

    for b in range(NBUF):
        idxcopy(b, b)
    for b in range(NBUF - 1):
        draini(b)
        gather(b, b)

    def body(g, carry):
        for b in range(NBUF):
            c = g * NBUF + b
            nb = (b + NBUF - 1) % NBUF
            draing(b)
            writeback(c, b)

            @pl.when(c + NBUF < NCHUNK)
            def _():
                idxcopy(c + NBUF, b)

            @pl.when(c == 0)
            def _():
                draini(NBUF - 1)
                gather(NBUF - 1, NBUF - 1)

            @pl.when((c >= 1) & (c + NBUF - 1 < NCHUNK))
            def _():
                draini(nb)
                drainw(nb)
                gather(c + NBUF - 1, nb)
        return carry

    lax.fori_loop(0, NCHUNK // NBUF, body, 0)
    for b in range(NBUF):
        drainw(b)


@jax.jit
def _gather(local, idx1d):
    mesh = plsc.VectorSubcoreMesh(core_axis_name="c", subcore_axis_name="s",
                                  num_cores=NC)
    fn = functools.partial(
        pl.kernel,
        mesh=mesh,
        out_type=jax.ShapeDtypeStruct((B_PAD, D), jnp.float32),
        scratch_types=(
            [pltpu.VMEM((CHUNK,), jnp.int32)] * NBUF
            + [pltpu.VMEM((CHUNK, D), jnp.float32)] * NBUF
            + [pltpu.SemaphoreType.DMA] * (3 * NBUF)
        ),
    )(_gather_kernel)
    return fn(local, idx1d)


def kernel(local, lidx0, lidx1, lidx2, lidx3):
    idx = jnp.concatenate([
        lidx0.astype(jnp.int32),
        lidx1.astype(jnp.int32),
        lidx2.astype(jnp.int32),
        lidx3.astype(jnp.int32),
    ])
    idx = jnp.pad(idx, (0, B_PAD - B))
    out = _gather(local, idx)
    return out[:B]

# --- scband reference (transcript-rebuilt; emitter-appended) ---
"""Pipeline reference for scband-halo-exchanger-29746943492225 (READ-ONLY COPY).

The authoritative reference and input builder live on the scoring server;
editing this copy changes nothing except your own understanding.
"""

import jax, jax.numpy as jnp
import numpy as np

WORLD_SIZE = 4
RANK = 0

def setup_inputs(seed: int = 0) -> dict:
    key = jax.random.key(seed)
    k1, k2, k3, k4, k5 = jax.random.split(key, 5)
    N, D = 100000, 256
    local = jax.random.normal(k1, (N, D), dtype=jnp.float32)
    lidx0 = jax.random.randint(k2, (60000,), 0, N, dtype=jnp.int64) if jax.config.jax_enable_x64 else jax.random.randint(k2, (60000,), 0, N).astype(jnp.int32)
    lidx1 = jax.random.randint(k3, (20000,), 0, N).astype(jnp.int32)
    lidx2 = jax.random.randint(k4, (20000,), 0, N).astype(jnp.int32)
    lidx3 = jax.random.randint(k5, (20000,), 0, N).astype(jnp.int32)
    return {"local": local, "lidx0": lidx0, "lidx1": lidx1, "lidx2": lidx2, "lidx3": lidx3}

def reference(local, lidx0, lidx1, lidx2, lidx3):
    # Single-process simulation of HaloExchanger.forward for a Reducer
    # (is_for_selector=False), rank 0 of world_size 4, with symmetric
    # loopback exchange: the payload this rank would send to peer u
    # (local[lidx_u], the gather on the isend path) stands in for the
    # halo buffer received from peer u (runtime_recv_lengths match the
    # send index lengths). The concat order follows the torch loop over
    # u in range(world_size): at u == rank the Reducer path contributes
    # local[runtime_halos_lidxes[rank]].
    lidxes = [lidx0, lidx1, lidx2, lidx3]
    recv_buffers = []
    for u in range(WORLD_SIZE):
        if u != RANK:
            # send-side gather local[lidx] (isend payload) == loopback recv buffer
            recv_buffers.append(jnp.take(local, lidxes[u], axis=0))
        else:
            # Reducer: own contribution is local[lidx_self] (a gather)
            recv_buffers.append(jnp.take(local, lidxes[RANK], axis=0))
    concat_buffer = jnp.concatenate(recv_buffers, axis=0)
    return concat_buffer

if __name__ == "__main__":
    import jax
    _d = setup_inputs()
    print(jax.jit(kernel)(*tuple(_d.values())))

</pallas_src>

<mosaic_0001>
#map = affine_map<(d0, d1) -> (0, 0)>
#map1 = affine_map<(d0, d1) -> (0)>
module attributes {stable_mosaic.version = 14 : i64} {
  func.func @_gather_kernel(%arg0: i32, %arg1: i32, %arg2: memref<100000x256xf32, #tpu.memory_space<hbm>>, %arg3: memref<122880xi32, #tpu.memory_space<hbm>>, %arg4: memref<122880x256xf32, #tpu.memory_space<hbm>>, %arg5: memref<128xi32, #tpu.memory_space<vmem>>, %arg6: memref<128xi32, #tpu.memory_space<vmem>>, %arg7: memref<128xi32, #tpu.memory_space<vmem>>, %arg8: memref<128x256xf32, #tpu.memory_space<vmem>>, %arg9: memref<128x256xf32, #tpu.memory_space<vmem>>, %arg10: memref<128x256xf32, #tpu.memory_space<vmem>>, %arg11: memref<!tpu.dma_semaphore, #tpu.memory_space<semaphore_mem>>, %arg12: memref<!tpu.dma_semaphore, #tpu.memory_space<semaphore_mem>>, %arg13: memref<!tpu.dma_semaphore, #tpu.memory_space<semaphore_mem>>, %arg14: memref<!tpu.dma_semaphore, #tpu.memory_space<semaphore_mem>>, %arg15: memref<!tpu.dma_semaphore, #tpu.memory_space<semaphore_mem>>, %arg16: memref<!tpu.dma_semaphore, #tpu.memory_space<semaphore_mem>>, %arg17: memref<!tpu.dma_semaphore, #tpu.memory_space<semaphore_mem>>, %arg18: memref<!tpu.dma_semaphore, #tpu.memory_space<semaphore_mem>>, %arg19: memref<!tpu.dma_semaphore, #tpu.memory_space<semaphore_mem>>) attributes {dimension_semantics = [#tpu.dimension_semantics<core_parallel>, #tpu.dimension_semantics<subcore_parallel>], iteration_bounds = array<i64: 2, 16>, scalar_prefetch = 0 : i64, scratch_operands = 15 : i64, tpu.core_type = #tpu.core_type<sc_vector_subcore>, window_params = [{transform_indices = #map}, {transform_indices = #map1}, {transform_indices = #map}]} {
    %mul3A = arith.constant 2 : i32
    %mul3A_0 = arith.muli %arg1, %mul3A : i32
    %add3A = arith.addi %mul3A_0, %arg0 : i32
    %mul3A_1 = arith.constant 3840 : i32
    %mul3A_2 = arith.muli %add3A, %mul3A_1 : i32
    %multiple_of3A = tpu.assume_multiple %mul3A_2, 256 : i32
    %add3A_3 = arith.constant 0 : i32
    %add3A_4 = arith.addi %multiple_of3A, %add3A_3 : i32
    %multiple_of3A_5 = tpu.assume_multiple %add3A_4, 128 : i32
    %dma_start3A = tpu.memref_slice %arg3[%multiple_of3A_5] : memref<122880xi32, #tpu.memory_space<hbm>> -> memref<128xi32, #tpu.memory_space<hbm>>
    %dma_start3A_6 = tpu.memref_slice %arg3[%multiple_of3A_5] : memref<122880xi32, #tpu.memory_space<hbm>> -> memref<128xi32, #tpu.memory_space<hbm>>
    tpu.enqueue_dma source(%dma_start3A_6 : memref<128xi32, #tpu.memory_space<hbm>>) target(%arg5 : memref<128xi32, #tpu.memory_space<vmem>>) target_semaphore(%arg11 : memref<!tpu.dma_semaphore, #tpu.memory_space<semaphore_mem>>)
    %add3A_7 = arith.constant 128 : i32
    %add3A_8 = arith.addi %multiple_of3A, %add3A_7 : i32
    %multiple_of3A_9 = tpu.assume_multiple %add3A_8, 128 : i32
    %dma_start3A_10 = tpu.memref_slice %arg3[%multiple_of3A_9] : memref<122880xi32, #tpu.memory_space<hbm>> -> memref<128xi32, #tpu.memory_space<hbm>>
    %dma_start3A_11 = tpu.memref_slice %arg3[%multiple_of3A_9] : memref<122880xi32, #tpu.memory_space<hbm>> -> memref<128xi32, #tpu.memory_space<hbm>>
    tpu.enqueue_dma source(%dma_start3A_11 : memref<128xi32, #tpu.memory_space<hbm>>) target(%arg6 : memref<128xi32, #tpu.memory_space<vmem>>) target_semaphore(%arg12 : memref<!tpu.dma_semaphore, #tpu.memory_space<semaphore_mem>>)
    %add3A_12 = arith.constant 256 : i32
    %add3A_13 = arith.addi %multiple_of3A, %add3A_12 : i32
    %multiple_of3A_14 = tpu.assume_multiple %add3A_13, 128 : i32
    %dma_start3A_15 = tpu.memref_slice %arg3[%multiple_of3A_14] : memref<122880xi32, #tpu.memory_space<hbm>> -> memref<128xi32, #tpu.memory_space<hbm>>
    %dma_start3A_16 = tpu.memref_slice %arg3[%multiple_of3A_14] : memref<122880xi32, #tpu.memory_space<hbm>> -> memref<128xi32, #tpu.memory_space<hbm>>
    tpu.enqueue_dma source(%dma_start3A_16 : memref<128xi32, #tpu.memory_space<hbm>>) target(%arg7 : memref<128xi32, #tpu.memory_space<vmem>>) target_semaphore(%arg13 : memref<!tpu.dma_semaphore, #tpu.memory_space<semaphore_mem>>)
    %dma_wait3A = arith.constant 0 : i32
    %dma_wait3A_17 = tpu.memref_slice %arg3[%dma_wait3A] : memref<122880xi32, #tpu.memory_space<hbm>> -> memref<128xi32, #tpu.memory_space<hbm>>
    %dma_wait3A_18 = arith.constant 0 : i32
    %dma_wait3A_19 = tpu.memref_slice %arg3[%dma_wait3A_18] : memref<122880xi32, #tpu.memory_space<hbm>> -> memref<128xi32, #tpu.memory_space<hbm>>
    tpu.wait_dma2 semaphore(%arg11 : memref<!tpu.dma_semaphore, #tpu.memory_space<semaphore_mem>>) src(%dma_wait3A_19 : memref<128xi32, #tpu.memory_space<hbm>>) dst(%arg5 : memref<128xi32, #tpu.memory_space<vmem>>)
    %dma_start3A_20 = arith.constant 0 : i32
    %dma_start3A_21 = arith.constant 0 : i32
    %dma_start3A_22 = tpu.memref_slice %arg2[%dma_start3A_20, %dma_start3A_21] : memref<100000x256xf32, #tpu.memory_space<hbm>> -> memref<100000x256xf32, #tpu.memory_space<hbm>>
    tpu.enqueue_indirect_dma source(%dma_start3A_22 : memref<100000x256xf32, #tpu.memory_space<hbm>>) target(%arg8 : memref<128x256xf32, #tpu.memory_space<vmem>>) offsets(%arg5 : memref<128xi32, #tpu.memory_space<vmem>>) semaphore(%arg14 : memref<!tpu.dma_semaphore, #tpu.memory_space<semaphore_mem>>)
    %dma_wait3A_23 = arith.constant 0 : i32
    %dma_wait3A_24 = tpu.memref_slice %arg3[%dma_wait3A_23] : memref<122880xi32, #tpu.memory_space<hbm>> -> memref<128xi32, #tpu.memory_space<hbm>>
    %dma_wait3A_25 = arith.constant 0 : i32
    %dma_wait3A_26 = tpu.memref_slice %arg3[%dma_wait3A_25] : memref<122880xi32, #tpu.memory_space<hbm>> -> memref<128xi32, #tpu.memory_space<hbm>>
    tpu.wait_dma2 semaphore(%arg12 : memref<!tpu.dma_semaphore, #tpu.memory_space<semaphore_mem>>) src(%dma_wait3A_26 : memref<128xi32, #tpu.memory_space<hbm>>) dst(%arg6 : memref<128xi32, #tpu.memory_space<vmem>>)
    %dma_start3A_27 = arith.constant 0 : i32
    %dma_start3A_28 = arith.constant 0 : i32
    %dma_start3A_29 = tpu.memref_slice %arg2[%dma_start3A_27, %dma_start3A_28] : memref<100000x256xf32, #tpu.memory_space<hbm>> -> memref<100000x256xf32, #tpu.memory_space<hbm>>
    tpu.enqueue_indirect_dma source(%dma_start3A_29 : memref<100000x256xf32, #tpu.memory_space<hbm>>) target(%arg9 : memref<128x256xf32, #tpu.memory_space<vmem>>) offsets(%arg6 : memref<128xi32, #tpu.memory_space<vmem>>) semaphore(%arg15 : memref<!tpu.dma_semaphore, #tpu.memory_space<semaphore_mem>>)
    %scan3A = arith.constant 0 : i32
    %scan3A_30 = arith.constant 0 : i32
    %scan3A_31 = arith.constant 10 : i32
    %scan3A_32 = arith.addi %scan3A_30, %scan3A_31 : i32
    %scan3A_33 = arith.constant 1 : i32
    scf.for %scan3A_53 = %scan3A_30 to %scan3A_32 step %scan3A_33  : i32 {
      %mul3A_54 = arith.constant 3 : i32
      %mul3A_55 = arith.muli %scan3A_53, %mul3A_54 : i32
      %add3A_56 = arith.constant 0 : i32
      %add3A_57 = arith.addi %mul3A_55, %add3A_56 : i32
      %dma_wait3A_58 = arith.constant 0 : i32
      %dma_wait3A_59 = arith.constant 0 : i32
      %dma_wait3A_60 = tpu.memref_slice %arg2[%dma_wait3A_58, %dma_wait3A_59] : memref<100000x256xf32, #tpu.memory_space<hbm>> -> memref<128x256xf32, #tpu.memory_space<hbm>>
      %dma_wait3A_61 = arith.constant 0 : i32
      %dma_wait3A_62 = arith.constant 0 : i32
      %dma_wait3A_63 = tpu.memref_slice %arg2[%dma_wait3A_61, %dma_wait3A_62] : memref<100000x256xf32, #tpu.memory_space<hbm>> -> memref<128x256xf32, #tpu.memory_space<hbm>>
      tpu.wait_dma2 semaphore(%arg14 : memref<!tpu.dma_semaphore, #tpu.memory_space<semaphore_mem>>) src(%dma_wait3A_63 : memref<128x256xf32, #tpu.memory_space<hbm>>) dst(%arg8 : memref<128x256xf32, #tpu.memory_space<vmem>>)
      %mul3A_64 = arith.constant 128 : i32
      %mul3A_65 = arith.muli %add3A_57, %mul3A_64 : i32
      %add3A_66 = arith.addi %multiple_of3A, %mul3A_65 : i32
      %multiple_of3A_67 = tpu.assume_multiple %add3A_66, 128 : i32
      %dma_start3A_68 = arith.constant 0 : i32
      %dma_start3A_69 = tpu.memref_slice %arg4[%multiple_of3A_67, %dma_start3A_68] : memref<122880x256xf32, #tpu.memory_space<hbm>> -> memref<128x256xf32, #tpu.memory_space<hbm>>
      %dma_start3A_70 = arith.constant 0 : i32
      %dma_start3A_71 = tpu.memref_slice %arg4[%multiple_of3A_67, %dma_start3A_70] : memref<122880x256xf32, #tpu.memory_space<hbm>> -> memref<128x256xf32, #tpu.memory_space<hbm>>
      tpu.enqueue_dma source(%arg8 : memref<128x256xf32, #tpu.memory_space<vmem>>) target(%dma_start3A_71 : memref<128x256xf32, #tpu.memory_space<hbm>>) target_semaphore(%arg17 : memref<!tpu.dma_semaphore, #tpu.memory_space<semaphore_mem>>)
      %add3A_72 = arith.constant 3 : i32
      %add3A_73 = arith.addi %add3A_57, %add3A_72 : i32
      %lt3A = arith.constant 30 : i32
      %lt3A_74 = arith.cmpi slt, %add3A_73, %lt3A : i32
      %convert_element_type3A = arith.extui %lt3A_74 : i1 to i32
      %cond3A = arith.constant 0 : i32
      %cond3A_75 = arith.cmpi ne, %convert_element_type3A, %cond3A : i32
      scf.if %cond3A_75 {
        %add3A_173 = arith.constant 3 : i32
        %add3A_174 = arith.addi %add3A_57, %add3A_173 : i32
        %mul3A_175 = arith.constant 128 : i32
        %mul3A_176 = arith.muli %add3A_174, %mul3A_175 : i32
        %add3A_177 = arith.addi %multiple_of3A, %mul3A_176 : i32
        %multiple_of3A_178 = tpu.assume_multiple %add3A_177, 128 : i32
        %dma_start3A_179 = tpu.memref_slice %arg3[%multiple_of3A_178] : memref<122880xi32, #tpu.memory_space<hbm>> -> memref<128xi32, #tpu.memory_space<hbm>>
        %dma_start3A_180 = tpu.memref_slice %arg3[%multiple_of3A_178] : memref<122880xi32, #tpu.memory_space<hbm>> -> memref<128xi32, #tpu.memory_space<hbm>>
        tpu.enqueue_dma source(%dma_start3A_180 : memref<128xi32, #tpu.memory_space<hbm>>) target(%arg5 : memref<128xi32, #tpu.memory_space<vmem>>) target_semaphore(%arg11 : memref<!tpu.dma_semaphore, #tpu.memory_space<semaphore_mem>>)
      } else {
      }
      %eq3A = arith.constant 0 : i32
      %eq3A_76 = arith.cmpi eq, %add3A_57, %eq3A : i32
      %convert_element_type3A_77 = arith.extui %eq3A_76 : i1 to i32
      %cond3A_78 = arith.constant 0 : i32
      %cond3A_79 = arith.cmpi ne, %convert_element_type3A_77, %cond3A_78 : i32
      scf.if %cond3A_79 {
        %dma_wait3A_173 = arith.constant 0 : i32
        %dma_wait3A_174 = tpu.memref_slice %arg3[%dma_wait3A_173] : memref<122880xi32, #tpu.memory_space<hbm>> -> memref<128xi32, #tpu.memory_space<hbm>>
        %dma_wait3A_175 = arith.constant 0 : i32
        %dma_wait3A_176 = tpu.memref_slice %arg3[%dma_wait3A_175] : memref<122880xi32, #tpu.memory_space<hbm>> -> memref<128xi32, #tpu.memory_space<hbm>>
        tpu.wait_dma2 semaphore(%arg13 : memref<!tpu.dma_semaphore, #tpu.memory_space<semaphore_mem>>) src(%dma_wait3A_176 : memref<128xi32, #tpu.memory_space<hbm>>) dst(%arg7 : memref<128xi32, #tpu.memory_space<vmem>>)
        %dma_start3A_177 = arith.constant 0 : i32
        %dma_start3A_178 = arith.constant 0 : i32
        %dma_start3A_179 = tpu.memref_slice %arg2[%dma_start3A_177, %dma_start3A_178] : memref<100000x256xf32, #tpu.memory_space<hbm>> -> memref<100000x256xf32, #tpu.memory_space<hbm>>
        tpu.enqueue_indirect_dma source(%dma_start3A_179 : memref<100000x256xf32, #tpu.memory_space<hbm>>) target(%arg10 : memref<128x256xf32, #tpu.memory_space<vmem>>) offsets(%arg7 : memref<128xi32, #tpu.memory_space<vmem>>) semaphore(%arg16 : memref<!tpu.dma_semaphore, #tpu.memory_space<semaphore_mem>>)
      } else {
      }
      %ge3A = arith.constant 1 : i32
      %ge3A_80 = arith.cmpi sge, %add3A_57, %ge3A : i32
      %add3A_81 = arith.constant 3 : i32
      %add3A_82 = arith.addi %add3A_57, %add3A_81 : i32
      %sub3A = arith.constant 1 : i32
      %sub3A_83 = arith.subi %add3A_82, %sub3A : i32
      %lt3A_84 = arith.constant 30 : i32
      %lt3A_85 = arith.cmpi slt, %sub3A_83, %lt3A_84 : i32
      %and3A = arith.andi %ge3A_80, %lt3A_85 : i1
      %convert_element_type3A_86 = arith.extui %and3A : i1 to i32
      %cond3A_87 = arith.constant 0 : i32
      %cond3A_88 = arith.cmpi ne, %convert_element_type3A_86, %cond3A_87 : i32
      scf.if %cond3A_88 {
        %dma_wait3A_173 = arith.constant 0 : i32
        %dma_wait3A_174 = tpu.memref_slice %arg3[%dma_wait3A_173] : memref<122880xi32, #tpu.memory_space<hbm>> -> memref<128xi32, #tpu.memory_space<hbm>>
        %dma_wait3A_175 = arith.constant 0 : i32
        %dma_wait3A_176 = tpu.memref_slice %arg3[%dma_wait3A_175] : memref<122880xi32, #tpu.memory_space<hbm>> -> memref<128xi32, #tpu.memory_space<hbm>>
        tpu.wait_dma2 semaphore(%arg13 : memref<!tpu.dma_semaphore, #tpu.memory_space<semaphore_mem>>) src(%dma_wait3A_176 : memref<128xi32, #tpu.memory_space<hbm>>) dst(%arg7 : memref<128xi32, #tpu.memory_space<vmem>>)
        %dma_wait3A_177 = arith.constant 0 : i32
        %dma_wait3A_178 = arith.constant 0 : i32
        %dma_wait3A_179 = tpu.memref_slice %arg2[%dma_wait3A_177, %dma_wait3A_178] : memref<100000x256xf32, #tpu.memory_space<hbm>> -> memref<128x256xf32, #tpu.memory_space<hbm>>
        %dma_wait3A_180 = arith.constant 0 : i32
        %dma_wait3A_181 = arith.constant 0 : i32
        %dma_wait3A_182 = tpu.memref_slice %arg2[%dma_wait3A_180, %dma_wait3A_181] : memref<100000x256xf32, #tpu.memory_space<hbm>> -> memref<128x256xf32, #tpu.memory_space<hbm>>
        tpu.wait_dma2 semaphore(%arg19 : memref<!tpu.dma_semaphore, #tpu.memory_space<semaphore_mem>>) src(%dma_wait3A_182 : memref<128x256xf32, #tpu.memory_space<hbm>>) dst(%arg10 : memref<128x256xf32, #tpu.memory_space<vmem>>)
        %add3A_183 = arith.constant 3 : i32
        %add3A_184 = arith.addi %add3A_57, %add3A_183 : i32
        %sub3A_185 = arith.constant 1 : i32
        %sub3A_186 = arith.subi %add3A_184, %sub3A_185 : i32
        %dma_start3A_187 = arith.constant 0 : i32
        %dma_start3A_188 = arith.constant 0 : i32
        %dma_start3A_189 = tpu.memref_slice %arg2[%dma_start3A_187, %dma_start3A_188] : memref<100000x256xf32, #tpu.memory_space<hbm>> -> memref<100000x256xf32, #tpu.memory_space<hbm>>
        tpu.enqueue_indirect_dma source(%dma_start3A_189 : memref<100000x256xf32, #tpu.memory_space<hbm>>) target(%arg10 : memref<128x256xf32, #tpu.memory_space<vmem>>) offsets(%arg7 : memref<128xi32, #tpu.memory_space<vmem>>) semaphore(%arg16 : memref<!tpu.dma_semaphore, #tpu.memory_space<semaphore_mem>>)
      } else {
      }
      %mul3A_89 = arith.constant 3 : i32
      %mul3A_90 = arith.muli %scan3A_53, %mul3A_89 : i32
      %add3A_91 = arith.constant 1 : i32
      %add3A_92 = arith.addi %mul3A_90, %add3A_91 : i32
      %dma_wait3A_93 = arith.constant 0 : i32
      %dma_wait3A_94 = arith.constant 0 : i32
      %dma_wait3A_95 = tpu.memref_slice %arg2[%dma_wait3A_93, %dma_wait3A_94] : memref<100000x256xf32, #tpu.memory_space<hbm>> -> memref<128x256xf32, #tpu.memory_space<hbm>>
      %dma_wait3A_96 = arith.constant 0 : i32
      %dma_wait3A_97 = arith.constant 0 : i32
      %dma_wait3A_98 = tpu.memref_slice %arg2[%dma_wait3A_96, %dma_wait3A_97] : memref<100000x256xf32, #tpu.memory_space<hbm>> -> memref<128x256xf32, #tpu.memory_space<hbm>>
      tpu.wait_dma2 semaphore(%arg15 : memref<!tpu.dma_semaphore, #tpu.memory_space<semaphore_mem>>) src(%dma_wait3A_98 : memref<128x256xf32, #tpu.memory_space<hbm>>) dst(%arg9 : memref<128x256xf32, #tpu.memory_space<vmem>>)
      %mul3A_99 = arith.constant 128 : i32
      %mul3A_100 = arith.muli %add3A_92, %mul3A_99 : i32
      %add3A_101 = arith.addi %multiple_of3A, %mul3A_100 : i32
      %multiple_of3A_102 = tpu.assume_multiple %add3A_101, 128 : i32
      %dma_start3A_103 = arith.constant 0 : i32
      %dma_start3A_104 = tpu.memref_slice %arg4[%multiple_of3A_102, %dma_start3A_103] : memref<122880x256xf32, #tpu.memory_space<hbm>> -> memref<128x256xf32, #tpu.memory_space<hbm>>
      %dma_start3A_105 = arith.constant 0 : i32
      %dma_start3A_106 = tpu.memref_slice %arg4[%multiple_of3A_102, %dma_start3A_105] : memref<122880x256xf32, #tpu.memory_space<hbm>> -> memref<128x256xf32, #tpu.memory_space<hbm>>
      tpu.enqueue_dma source(%arg9 : memref<128x256xf32, #tpu.memory_space<vmem>>) target(%dma_start3A_106 : memref<128x256xf32, #tpu.memory_space<hbm>>) target_semaphore(%arg18 : memref<!tpu.dma_semaphore, #tpu.memory_space<semaphore_mem>>)
      %add3A_107 = arith.constant 3 : i32
      %add3A_108 = arith.addi %add3A_92, %add3A_107 : i32
      %lt3A_109 = arith.constant 30 : i32
      %lt3A_110 = arith.cmpi slt, %add3A_108, %lt3A_109 : i32
      %convert_element_type3A_111 = arith.extui %lt3A_110 : i1 to i32
      %cond3A_112 = arith.constant 0 : i32
      %cond3A_113 = arith.cmpi ne, %convert_element_type3A_111, %cond3A_112 : i32
      scf.if %cond3A_113 {
        %add3A_173 = arith.constant 3 : i32
        %add3A_174 = arith.addi %add3A_92, %add3A_173 : i32
        %mul3A_175 = arith.constant 128 : i32
        %mul3A_176 = arith.muli %add3A_174, %mul3A_175 : i32
        %add3A_177 = arith.addi %multiple_of3A, %mul3A_176 : i32
        %multiple_of3A_178 = tpu.assume_multiple %add3A_177, 128 : i32
        %dma_start3A_179 = tpu.memref_slice %arg3[%multiple_of3A_178] : memref<122880xi32, #tpu.memory_space<hbm>> -> memref<128xi32, #tpu.memory_space<hbm>>
        %dma_start3A_180 = tpu.memref_slice %arg3[%multiple_of3A_178] : memref<122880xi32, #tpu.memory_space<hbm>> -> memref<128xi32, #tpu.memory_space<hbm>>
        tpu.enqueue_dma source(%dma_start3A_180 : memref<128xi32, #tpu.memory_space<hbm>>) target(%arg6 : memref<128xi32, #tpu.memory_space<vmem>>) target_semaphore(%arg12 : memref<!tpu.dma_semaphore, #tpu.memory_space<semaphore_mem>>)
      } else {
      }
      %eq3A_114 = arith.constant 0 : i32
      %eq3A_115 = arith.cmpi eq, %add3A_92, %eq3A_114 : i32
      %convert_element_type3A_116 = arith.extui %eq3A_115 : i1 to i32
      %cond3A_117 = arith.constant 0 : i32
      %cond3A_118 = arith.cmpi ne, %convert_element_type3A_116, %cond3A_117 : i32
      scf.if %cond3A_118 {
        %dma_wait3A_173 = arith.constant 0 : i32
        %dma_wait3A_174 = tpu.memref_slice %arg3[%dma_wait3A_173] : memref<122880xi32, #tpu.memory_space<hbm>> -> memref<128xi32, #tpu.memory_space<hbm>>
        %dma_wait3A_175 = arith.constant 0 : i32
        %dma_wait3A_176 = tpu.memref_slice %arg3[%dma_wait3A_175] : memref<122880xi32, #tpu.memory_space<hbm>> -> memref<128xi32, #tpu.memory_space<hbm>>
        tpu.wait_dma2 semaphore(%arg13 : memref<!tpu.dma_semaphore, #tpu.memory_space<semaphore_mem>>) src(%dma_wait3A_176 : memref<128xi32, #tpu.memory_space<hbm>>) dst(%arg7 : memref<128xi32, #tpu.memory_space<vmem>>)
        %dma_start3A_177 = arith.constant 0 : i32
        %dma_start3A_178 = arith.constant 0 : i32
        %dma_start3A_179 = tpu.memref_slice %arg2[%dma_start3A_177, %dma_start3A_178] : memref<100000x256xf32, #tpu.memory_space<hbm>> -> memref<100000x256xf32, #tpu.memory_space<hbm>>
        tpu.enqueue_indirect_dma source(%dma_start3A_179 : memref<100000x256xf32, #tpu.memory_space<hbm>>) target(%arg10 : memref<128x256xf32, #tpu.memory_space<vmem>>) offsets(%arg7 : memref<128xi32, #tpu.memory_space<vmem>>) semaphore(%arg16 : memref<!tpu.dma_semaphore, #tpu.memory_space<semaphore_mem>>)
      } else {
      }
      %ge3A_119 = arith.constant 1 : i32
      %ge3A_120 = arith.cmpi sge, %add3A_92, %ge3A_119 : i32
      %add3A_121 = arith.constant 3 : i32
      %add3A_122 = arith.addi %add3A_92, %add3A_121 : i32
      %sub3A_123 = arith.constant 1 : i32
      %sub3A_124 = arith.subi %add3A_122, %sub3A_123 : i32
      %lt3A_125 = arith.constant 30 : i32
      %lt3A_126 = arith.cmpi slt, %sub3A_124, %lt3A_125 : i32
      %and3A_127 = arith.andi %ge3A_120, %lt3A_126 : i1
      %convert_element_type3A_128 = arith.extui %and3A_127 : i1 to i32
      %cond3A_129 = arith.constant 0 : i32
      %cond3A_130 = arith.cmpi ne, %convert_element_type3A_128, %cond3A_129 : i32
      scf.if %cond3A_130 {
        %dma_wait3A_173 = arith.constant 0 : i32
        %dma_wait3A_174 = tpu.memref_slice %arg3[%dma_wait3A_173] : memref<122880xi32, #tpu.memory_space<hbm>> -> memref<128xi32, #tpu.memory_space<hbm>>
        %dma_wait3A_175 = arith.constant 0 : i32
        %dma_wait3A_176 = tpu.memref_slice %arg3[%dma_wait3A_175] : memref<122880xi32, #tpu.memory_space<hbm>> -> memref<128xi32, #tpu.memory_space<hbm>>
        tpu.wait_dma2 semaphore(%arg11 : memref<!tpu.dma_semaphore, #tpu.memory_space<semaphore_mem>>) src(%dma_wait3A_176 : memref<128xi32, #tpu.memory_space<hbm>>) dst(%arg5 : memref<128xi32, #tpu.memory_space<vmem>>)
        %dma_wait3A_177 = arith.constant 0 : i32
        %dma_wait3A_178 = arith.constant 0 : i32
        %dma_wait3A_179 = tpu.memref_slice %arg2[%dma_wait3A_177, %dma_wait3A_178] : memref<100000x256xf32, #tpu.memory_space<hbm>> -> memref<128x256xf32, #tpu.memory_space<hbm>>
        %dma_wait3A_180 = arith.constant 0 : i32
        %dma_wait3A_181 = arith.constant 0 : i32
        %dma_wait3A_182 = tpu.memref_slice %arg2[%dma_wait3A_180, %dma_wait3A_181] : memref<100000x256xf32, #tpu.memory_space<hbm>> -> memref<128x256xf32, #tpu.memory_space<hbm>>
        tpu.wait_dma2 semaphore(%arg17 : memref<!tpu.dma_semaphore, #tpu.memory_space<semaphore_mem>>) src(%dma_wait3A_182 : memref<128x256xf32, #tpu.memory_space<hbm>>) dst(%arg8 : memref<128x256xf32, #tpu.memory_space<vmem>>)
        %add3A_183 = arith.constant 3 : i32
        %add3A_184 = arith.addi %add3A_92, %add3A_183 : i32
        %sub3A_185 = arith.constant 1 : i32
        %sub3A_186 = arith.subi %add3A_184, %sub3A_185 : i32
        %dma_start3A_187 = arith.constant 0 : i32
        %dma_start3A_188 = arith.constant 0 : i32
        %dma_start3A_189 = tpu.memref_slice %arg2[%dma_start3A_187, %dma_start3A_188] : memref<100000x256xf32, #tpu.memory_space<hbm>> -> memref<100000x256xf32, #tpu.memory_space<hbm>>
        tpu.enqueue_indirect_dma source(%dma_start3A_189 : memref<100000x256xf32, #tpu.memory_space<hbm>>) target(%arg8 : memref<128x256xf32, #tpu.memory_space<vmem>>) offsets(%arg5 : memref<128xi32, #tpu.memory_space<vmem>>) semaphore(%arg14 : memref<!tpu.dma_semaphore, #tpu.memory_space<semaphore_mem>>)
      } else {
      }
      %mul3A_131 = arith.constant 3 : i32
      %mul3A_132 = arith.muli %scan3A_53, %mul3A_131 : i32
      %add3A_133 = arith.constant 2 : i32
      %add3A_134 = arith.addi %mul3A_132, %add3A_133 : i32
      %dma_wait3A_135 = arith.constant 0 : i32
      %dma_wait3A_136 = arith.constant 0 : i32
      %dma_wait3A_137 = tpu.memref_slice %arg2[%dma_wait3A_135, %dma_wait3A_136] : memref<100000x256xf32, #tpu.memory_space<hbm>> -> memref<128x256xf32, #tpu.memory_space<hbm>>
      %dma_wait3A_138 = arith.constant 0 : i32
      %dma_wait3A_139 = arith.constant 0 : i32
      %dma_wait3A_140 = tpu.memref_slice %arg2[%dma_wait3A_138, %dma_wait3A_139] : memref<100000x256xf32, #tpu.memory_space<hbm>> -> memref<128x256xf32, #tpu.memory_space<hbm>>
      tpu.wait_dma2 semaphore(%arg16 : memref<!tpu.dma_semaphore, #tpu.memory_space<semaphore_mem>>) src(%dma_wait3A_140 : memref<128x256xf32, #tpu.memory_space<hbm>>) dst(%arg10 : memref<128x256xf32, #tpu.memory_space<vmem>>)
      %mul3A_141 = arith.constant 128 : i32
      %mul3A_142 = arith.muli %add3A_134, %mul3A_141 : i32
      %add3A_143 = arith.addi %multiple_of3A, %mul3A_142 : i32
      %multiple_of3A_144 = tpu.assume_multiple %add3A_143, 128 : i32
      %dma_start3A_145 = arith.constant 0 : i32
      %dma_start3A_146 = tpu.memref_slice %arg4[%multiple_of3A_144, %dma_start3A_145] : memref<122880x256xf32, #tpu.memory_space<hbm>> -> memref<128x256xf32, #tpu.memory_space<hbm>>
      %dma_start3A_147 = arith.constant 0 : i32
      %dma_start3A_148 = tpu.memref_slice %arg4[%multiple_of3A_144, %dma_start3A_147] : memref<122880x256xf32, #tpu.memory_space<hbm>> -> memref<128x256xf32, #tpu.memory_space<hbm>>
      tpu.enqueue_dma source(%arg10 : memref<128x256xf32, #tpu.memory_space<vmem>>) target(%dma_start3A_148 : memref<128x256xf32, #tpu.memory_space<hbm>>) target_semaphore(%arg19 : memref<!tpu.dma_semaphore, #tpu.memory_space<semaphore_mem>>)
      %add3A_149 = arith.constant 3 : i32
      %add3A_150 = arith.addi %add3A_134, %add3A_149 : i32
      %lt3A_151 = arith.constant 30 : i32
      %lt3A_152 = arith.cmpi slt, %add3A_150, %lt3A_151 : i32
      %convert_element_type3A_153 = arith.extui %lt3A_152 : i1 to i32
      %cond3A_154 = arith.constant 0 : i32
      %cond3A_155 = arith.cmpi ne, %convert_element_type3A_153, %cond3A_154 : i32
      scf.if %cond3A_155 {
        %add3A_173 = arith.constant 3 : i32
        %add3A_174 = arith.addi %add3A_134, %add3A_173 : i32
        %mul3A_175 = arith.constant 128 : i32
        %mul3A_176 = arith.muli %add3A_174, %mul3A_175 : i32
        %add3A_177 = arith.addi %multiple_of3A, %mul3A_176 : i32
        %multiple_of3A_178 = tpu.assume_multiple %add3A_177, 128 : i32
        %dma_start3A_179 = tpu.memref_slice %arg3[%multiple_of3A_178] : memref<122880xi32, #tpu.memory_space<hbm>> -> memref<128xi32, #tpu.memory_space<hbm>>
        %dma_start3A_180 = tpu.memref_slice %arg3[%multiple_of3A_178] : memref<122880xi32, #tpu.memory_space<hbm>> -> memref<128xi32, #tpu.memory_space<hbm>>
        tpu.enqueue_dma source(%dma_start3A_180 : memref<128xi32, #tpu.memory_space<hbm>>) target(%arg7 : memref<128xi32, #tpu.memory_space<vmem>>) target_semaphore(%arg13 : memref<!tpu.dma_semaphore, #tpu.memory_space<semaphore_mem>>)
      } else {
      }
      %eq3A_156 = arith.constant 0 : i32
      %eq3A_157 = arith.cmpi eq, %add3A_134, %eq3A_156 : i32
      %convert_element_type3A_158 = arith.extui %eq3A_157 : i1 to i32
      %cond3A_159 = arith.constant 0 : i32
      %cond3A_160 = arith.cmpi ne, %convert_element_type3A_158, %cond3A_159 : i32
      scf.if %cond3A_160 {
        %dma_wait3A_173 = arith.constant 0 : i32
        %dma_wait3A_174 = tpu.memref_slice %arg3[%dma_wait3A_173] : memref<122880xi32, #tpu.memory_space<hbm>> -> memref<128xi32, #tpu.memory_space<hbm>>
        %dma_wait3A_175 = arith.constant 0 : i32
        %dma_wait3A_176 = tpu.memref_slice %arg3[%dma_wait3A_175] : memref<122880xi32, #tpu.memory_space<hbm>> -> memref<128xi32, #tpu.memory_space<hbm>>
        tpu.wait_dma2 semaphore(%arg13 : memref<!tpu.dma_semaphore, #tpu.memory_space<semaphore_mem>>) src(%dma_wait3A_176 : memref<128xi32, #tpu.memory_space<hbm>>) dst(%arg7 : memref<128xi32, #tpu.memory_space<vmem>>)
        %dma_start3A_177 = arith.constant 0 : i32
        %dma_start3A_178 = arith.constant 0 : i32
        %dma_start3A_179 = tpu.memref_slice %arg2[%dma_start3A_177, %dma_start3A_178] : memref<100000x256xf32, #tpu.memory_space<hbm>> -> memref<100000x256xf32, #tpu.memory_space<hbm>>
        tpu.enqueue_indirect_dma source(%dma_start3A_179 : memref<100000x256xf32, #tpu.memory_space<hbm>>) target(%arg10 : memref<128x256xf32, #tpu.memory_space<vmem>>) offsets(%arg7 : memref<128xi32, #tpu.memory_space<vmem>>) semaphore(%arg16 : memref<!tpu.dma_semaphore, #tpu.memory_space<semaphore_mem>>)
      } else {
      }
      %ge3A_161 = arith.constant 1 : i32
      %ge3A_162 = arith.cmpi sge, %add3A_134, %ge3A_161 : i32
      %add3A_163 = arith.constant 3 : i32
      %add3A_164 = arith.addi %add3A_134, %add3A_163 : i32
      %sub3A_165 = arith.constant 1 : i32
      %sub3A_166 = arith.subi %add3A_164, %sub3A_165 : i32
      %lt3A_167 = arith.constant 30 : i32
      %lt3A_168 = arith.cmpi slt, %sub3A_166, %lt3A_167 : i32
      %and3A_169 = arith.andi %ge3A_162, %lt3A_168 : i1
      %convert_element_type3A_170 = arith.extui %and3A_169 : i1 to i32
      %cond3A_171 = arith.constant 0 : i32
      %cond3A_172 = arith.cmpi ne, %convert_element_type3A_170, %cond3A_171 : i32
      scf.if %cond3A_172 {
        %dma_wait3A_173 = arith.constant 0 : i32
        %dma_wait3A_174 = tpu.memref_slice %arg3[%dma_wait3A_173] : memref<122880xi32, #tpu.memory_space<hbm>> -> memref<128xi32, #tpu.memory_space<hbm>>
        %dma_wait3A_175 = arith.constant 0 : i32
        %dma_wait3A_176 = tpu.memref_slice %arg3[%dma_wait3A_175] : memref<122880xi32, #tpu.memory_space<hbm>> -> memref<128xi32, #tpu.memory_space<hbm>>
        tpu.wait_dma2 semaphore(%arg12 : memref<!tpu.dma_semaphore, #tpu.memory_space<semaphore_mem>>) src(%dma_wait3A_176 : memref<128xi32, #tpu.memory_space<hbm>>) dst(%arg6 : memref<128xi32, #tpu.memory_space<vmem>>)
        %dma_wait3A_177 = arith.constant 0 : i32
        %dma_wait3A_178 = arith.constant 0 : i32
        %dma_wait3A_179 = tpu.memref_slice %arg2[%dma_wait3A_177, %dma_wait3A_178] : memref<100000x256xf32, #tpu.memory_space<hbm>> -> memref<128x256xf32, #tpu.memory_space<hbm>>
        %dma_wait3A_180 = arith.constant 0 : i32
        %dma_wait3A_181 = arith.constant 0 : i32
        %dma_wait3A_182 = tpu.memref_slice %arg2[%dma_wait3A_180, %dma_wait3A_181] : memref<100000x256xf32, #tpu.memory_space<hbm>> -> memref<128x256xf32, #tpu.memory_space<hbm>>
        tpu.wait_dma2 semaphore(%arg18 : memref<!tpu.dma_semaphore, #tpu.memory_space<semaphore_mem>>) src(%dma_wait3A_182 : memref<128x256xf32, #tpu.memory_space<hbm>>) dst(%arg9 : memref<128x256xf32, #tpu.memory_space<vmem>>)
        %add3A_183 = arith.constant 3 : i32
        %add3A_184 = arith.addi %add3A_134, %add3A_183 : i32
        %sub3A_185 = arith.constant 1 : i32
        %sub3A_186 = arith.subi %add3A_184, %sub3A_185 : i32
        %dma_start3A_187 = arith.constant 0 : i32
        %dma_start3A_188 = arith.constant 0 : i32
        %dma_start3A_189 = tpu.memref_slice %arg2[%dma_start3A_187, %dma_start3A_188] : memref<100000x256xf32, #tpu.memory_space<hbm>> -> memref<100000x256xf32, #tpu.memory_space<hbm>>
        tpu.enqueue_indirect_dma source(%dma_start3A_189 : memref<100000x256xf32, #tpu.memory_space<hbm>>) target(%arg9 : memref<128x256xf32, #tpu.memory_space<vmem>>) offsets(%arg6 : memref<128xi32, #tpu.memory_space<vmem>>) semaphore(%arg15 : memref<!tpu.dma_semaphore, #tpu.memory_space<semaphore_mem>>)
      } else {
      }
    }
    %scan3A_34 = arith.constant 10 : i32
    %dma_wait3A_35 = arith.constant 0 : i32
    %dma_wait3A_36 = arith.constant 0 : i32
    %dma_wait3A_37 = tpu.memref_slice %arg2[%dma_wait3A_35, %dma_wait3A_36] : memref<100000x256xf32, #tpu.memory_space<hbm>> -> memref<128x256xf32, #tpu.memory_space<hbm>>
    %dma_wait3A_38 = arith.constant 0 : i32
    %dma_wait3A_39 = arith.constant 0 : i32
    %dma_wait3A_40 = tpu.memref_slice %arg2[%dma_wait3A_38, %dma_wait3A_39] : memref<100000x256xf32, #tpu.memory_space<hbm>> -> memref<128x256xf32, #tpu.memory_space<hbm>>
    tpu.wait_dma2 semaphore(%arg17 : memref<!tpu.dma_semaphore, #tpu.memory_space<semaphore_mem>>) src(%dma_wait3A_40 : memref<128x256xf32, #tpu.memory_space<hbm>>) dst(%arg8 : memref<128x256xf32, #tpu.memory_space<vmem>>)
    %dma_wait3A_41 = arith.constant 0 : i32
    %dma_wait3A_42 = arith.constant 0 : i32
    %dma_wait3A_43 = tpu.memref_slice %arg2[%dma_wait3A_41, %dma_wait3A_42] : memref<100000x256xf32, #tpu.memory_space<hbm>> -> memref<128x256xf32, #tpu.memory_space<hbm>>
    %dma_wait3A_44 = arith.constant 0 : i32
    %dma_wait3A_45 = arith.constant 0 : i32
    %dma_wait3A_46 = tpu.memref_slice %arg2[%dma_wait3A_44, %dma_wait3A_45] : memref<100000x256xf32, #tpu.memory_space<hbm>> -> memref<128x256xf32, #tpu.memory_space<hbm>>
    tpu.wait_dma2 semaphore(%arg18 : memref<!tpu.dma_semaphore, #tpu.memory_space<semaphore_mem>>) src(%dma_wait3A_46 : memref<128x256xf32, #tpu.memory_space<hbm>>) dst(%arg9 : memref<128x256xf32, #tpu.memory_space<vmem>>)
    %dma_wait3A_47 = arith.constant 0 : i32
    %dma_wait3A_48 = arith.constant 0 : i32
    %dma_wait3A_49 = tpu.memref_slice %arg2[%dma_wait3A_47, %dma_wait3A_48] : memref<100000x256xf32, #tpu.memory_space<hbm>> -> memref<128x256xf32, #tpu.memory_space<hbm>>
    %dma_wait3A_50 = arith.constant 0 : i32
    %dma_wait3A_51 = arith.constant 0 : i32
    %dma_wait3A_52 = tpu.memref_slice %arg2[%dma_wait3A_50, %dma_wait3A_51] : memref<100000x256xf32, #tpu.memory_space<hbm>> -> memref<128x256xf32, #tpu.memory_space<hbm>>
    tpu.wait_dma2 semaphore(%arg19 : memref<!tpu.dma_semaphore, #tpu.memory_space<semaphore_mem>>) src(%dma_wait3A_52 : memref<128x256xf32, #tpu.memory_space<hbm>>) dst(%arg10 : memref<128x256xf32, #tpu.memory_space<vmem>>)
    return
  }
}

</mosaic_0001>

<sc_bundles>
// kernel: _gather.3.cloned.1.call-start
scs
__scs_entry_jumppad:
0x0: {  	(pc) =	sbr.rel $0x88, $3  }
0x1: {  	(tag) =	ssettag $0x0;
	lr =	simm.s32 $0x1  }
0x2: {  	[smem:$0x3F9F] =	sst lr;
	_ =	strace $0xD0000000  }
0x3: {  	_ = 	snop  }
0x4: {  	_ = 	snop  }
0x5: {  	_ = 	snop  }
0x6: {  	_ = 	snop  }
0x7: {  	_ = 	snop  }
__scs_overlays_trampoline_lowered:
0x8: {  	[smem:$0x3FAE] =	sst s0  }
0x9: {  	[smem:$0x3FAF] =	sst s1  }
0xa: {  	[smem:$0x3FB0] =	sst s2  }
0xb: {  	[smem:$0x3FB1] =	sst s3  }
0xc: {  	[smem:$0x3FB2] =	sst s4  }
0xd: {  	[smem:$0x3FB3] =	sst s5  }
0xe: {  	[smem:$0x3FB4] =	sst s6  }
0xf: {  	[smem:$0x3FB5] =	sst s7  }
0x10: {  	[smem:$0x3FB6] =	sst s8  }
0x11: {  	[smem:$0x3FB7] =	sst s9;
	s0 =	simm.s32 @!p0 $0x0  }
0x12: {  	s1 =	sld [smem:$0x3F9D];
	s0 =	simm.s32 @p0 $0x1  }
0x13: {  	[smem:$0x3FB8] =	sst s0;
	s0 =	simm.s32 @!p1 $0x0  }
0x14: {  	s2 =	sld [smem:$0x3F9C];
	s0 =	simm.s32 @p1 $0x1  }
0x15: {  	[smem:$0x3FB9] =	sst s0;
	s0 =	simm.s32 @!p2 $0x0  }
0x16: {  	s3 =	sld [smem:$0x3FDB];
	s0 =	simm.s32 @p2 $0x1  }
0x17: {  	s4 =	simm.s32 $0x1BF5;
	[smem:$0x3FBB] =	sst s0  }
0x18: {  	s0 =	sld [smem:$0x3F9E];
	_ =	swait.ge [sflag:s4], $0x0  }
0x19: {  	s7 =	sld [smem:$0x3F9F]  }
0x1a: {  	s8 =	sadd.s32 $0xFFFFE003, lr  }
0x1b: {  	s9 =	sadd.s32 $0xFFFFFEF7, lr;
	s5 =	simm.s32 $0xFFFFFFFF;
	p2 =	slt.u32 s8, $0xFFFFF086  }
0x1c: {  	p1 =	slt.u32 s9, $0xF7A;
	s5 =	simm.s32 @!p2 $0x0  }
0x1d: {  	s5 =	simm.s32 @p1 $0x1;
	p0 =	seq.s32 s7, s2  }
0x1e: {  	s7 =	smul.u32 @!p0 $0xF7A, s2;
	p2 =	seq.s32 @!p0 s5, $0x0  }
0x1f: {  	s9 =	smul.u32 $0xF7A, s1;
	s8 =	simm.s32 @!p0 $0x1BF5;
	p2 =	por !p2, p0  }
0x20: {  	[sflag:s8] =	ssyncset.s32 @!p0 $0xFFFFF086;
	s6 =	sadd.s32 @!p0 s3, s7;
	s7 =	simm.s32 @!p0 $0x108  }
0x21: {  	s3 =	sadd.s32 s3, s9;
	s6 =	sadd.s32 @!p0 $0x88, s6;
	s7 =	simm.s32 @p2 $0x1082  }
0x22: {  	[simem:s7], [sflag:s8] =	dma.local @!p0 [hbm:s6], $0xF7A  }
0x23: {  	s9 =	sor.u32 $0xD0000000, s2;
	s6 =	simm.s32 $0x108;
	_ =	swait.ge @!p0 [sflag:s8], $0x0  }
0x24: {  	s3 =	sadd.s32 $0x88, s3;
	s6 =	simm.s32 @!p1 $0x1082;
	[sflag:s4] =	ssyncset.s32 $0xFFFFF086  }
0x25: {  	[simem:s6], [sflag:s4] =	dma.local [hbm:s3], $0xF7A  }
0x26: {  	[smem:$0x3F9F] =	sst s1;
	(tag) =	ssettag s2;
	_ =	strace s9  }
0x27: {  	s1 =	sld [smem:$0x3FAF]  }
0x28: {  	s2 =	sld [smem:$0x3FB0]  }
0x29: {  	s4 =	sld [smem:$0x3FB2]  }
0x2a: {  	p0 =	seq.s32 s5, $0x0;
	s5 =	sld [smem:$0x3FB3]  }
0x2b: {  	s6 =	sld [smem:$0x3FB4]  }
0x2c: {  	s7 =	sld [smem:$0x3FB5]  }
0x2d: {  	s3 =	simm.s32 $0x108;
	s8 =	sld [smem:$0x3FB6]  }
0x2e: {  	s3 =	simm.s32 @!p0 $0x1082;
	s9 =	sld [smem:$0x3FB7]  }
0x2f: {  	lr =	sadd.s32 s0, s3;
	s0 =	sld [smem:$0x3FAE]  }
0x30: {  	s3 =	sld [smem:$0x3FB1]  }
0x31: {  	[smem:$0x3FBA] =	sst s10  }
0x32: {  	s10 =	sld [smem:$0x3FB8];
	_ =	sdelay $0x3  }
0x33: {  	p0 =	seq.s32 s10, $0x1;
	s10 =	sld [smem:$0x3FBA];
	_ =	sdelay $0x3  }
0x34: {  	[smem:$0x3FBA] =	sst s10  }
0x35: {  	s10 =	sld [smem:$0x3FB9];
	_ =	sdelay $0x3  }
0x36: {  	p1 =	seq.s32 s10, $0x1;
	s10 =	sld [smem:$0x3FBA];
	_ =	sdelay $0x3  }
0x37: {  	[smem:$0x3FBA] =	sst s10  }
0x38: {  	s10 =	sld [smem:$0x3FBB]  }
0x39: {  	_ = 	snop;
	(pc) =	sbr.ind lr, $3  }
0x3a: {  	_ = 	snop  }
0x3b: {  	_ = 	snop  }
0x3c: {  	p2 =	seq.s32 s10, $0x1;
	s10 =	sld [smem:$0x3FBA]  }
0x3d: {  	_ =	shalt  }
0x3e: {  	_ =	shalt  }
0x3f: {  	_ =	shalt  }
0x40: {  	_ =	shalt  }
0x41: {  	_ =	shalt  }
0x42: {  	_ =	shalt  }
0x43: {  	_ =	shalt  }
0x44: {  	_ =	shalt  }
0x45: {  	_ =	shalt  }
0x46: {  	_ =	shalt  }
0x47: {  	_ =	shalt  }
0x48: {  	_ =	shalt  }
0x49: {  	_ =	shalt  }
0x4a: {  	_ =	shalt  }
0x4b: {  	_ =	shalt  }
0x4c: {  	_ =	shalt  }
0x4d: {  	_ =	shalt  }
0x4e: {  	_ =	shalt  }
0x4f: {  	_ =	shalt  }
0x50: {  	_ =	shalt  }
0x51: {  	_ =	shalt  }
0x52: {  	_ =	shalt  }
0x53: {  	_ =	shalt  }
0x54: {  	_ =	shalt  }
0x55: {  	_ =	shalt  }
0x56: {  	_ =	shalt  }
0x57: {  	_ =	shalt  }
0x58: {  	_ =	shalt  }
0x59: {  	_ =	shalt  }
0x5a: {  	_ =	shalt  }
0x5b: {  	_ =	shalt  }
0x5c: {  	_ =	shalt  }
0x5d: {  	_ =	shalt  }
0x5e: {  	_ =	shalt  }
0x5f: {  	_ =	shalt  }
0x60: {  	_ =	shalt  }
0x61: {  	_ =	shalt  }
0x62: {  	_ =	shalt  }
0x63: {  	_ =	shalt  }
0x64: {  	_ =	shalt  }
0x65: {  	_ =	shalt  }
0x66: {  	_ =	shalt  }
0x67: {  	_ =	shalt  }
0x68: {  	_ =	shalt  }
0x69: {  	_ =	shalt  }
0x6a: {  	_ =	shalt  }
0x6b: {  	_ =	shalt  }
0x6c: {  	_ =	shalt  }
0x6d: {  	_ =	shalt  }
0x6e: {  	_ =	shalt  }
0x6f: {  	_ =	shalt  }
0x70: {  	_ =	shalt  }
0x71: {  	_ =	shalt  }
0x72: {  	_ =	shalt  }
0x73: {  	_ =	shalt  }
0x74: {  	_ =	shalt  }
0x75: {  	_ =	shalt  }
0x76: {  	_ =	shalt  }
0x77: {  	_ =	shalt  }
0x78: {  	_ =	shalt  }
0x79: {  	_ =	shalt  }
0x7a: {  	_ =	shalt  }
0x7b: {  	_ =	shalt  }
0x7c: {  	_ =	shalt  }
0x7d: {  	_ =	shalt  }
0x7e: {  	_ =	shalt  }
0x7f: {  	_ =	shalt  }
0x80: {  	_ =	shalt  }
0x81: {  	_ =	shalt  }
0x82: {  	_ =	shalt  }
0x83: {  	_ =	shalt  }
0x84: {  	_ =	shalt  }
0x85: {  	_ =	shalt  }
0x86: {  	_ =	shalt  }
0x87: {  	_ =	shalt  }
.Lfunc_end0:
.L_simem_size_0:
called_computation_lowered:
.L_overlay_start_0:
0x88: {  	s2 =	sld [smem:$0x3FD9]  }
0x89: {  	s3 =	sld [smem:$0x3FFE];
	_ =	sdelay $0x1  }
0x8a: {  	s1 =	srdreg.scid  }
0x8b: {  	s0 =	sand.u32 $0x1, s1  }
0x8c: {  	s18 =	sshll.u32 s0, $0xA;
	s2 =	sadd.s32 s3, s2  }
0x8d: {  	s2 =	sadd.s32 s2, s18  }
0x8e: {  	[smem:$0x3FC6] =	sst s2  }
0x8f: {  	_ = 	snop  }
0x90: {  	s2 =	sld [smem:$0x3FC9]  }
0x91: {  	s19 =	sld [smem:$0x3FC8]  }
0x92: {  	s4 =	sld [smem:$0x3FD0];
	(tm) =	ssettm $0x1  }
0x93: {  	s5 =	sld [smem:$0x3FFB];
	_ =	sdelay $0x3  }
0x94: {  	_ =	strace s5  }
0x95: {  	s5 =	sld [smem:$0x3FFC];
	_ =	sdelay $0x3  }
0x96: {  	_ =	strace s5  }
0x97: {  	s5 =	sld [smem:$0x3FFD];
	_ =	sdelay $0x3  }
0x98: {  	_ =	strace s5  }
0x99: {  	_ =	strace $0x8FFFFFFF  }
0x9a: {  	s20 =	sld [smem:$0x3FDB];
	_ =	sdelay $0x1  }
0x9b: {  	s6 =	simm.s32 $_scs_section_size  }
0x9c: {  	s7 =	simm.s32 $_size__tile_overlayer_lowered;
	s8 =	simm.s32 $_tile_overlayer_lowered  }
0x9d: {  	s23 =	simm.s32 $0x1BFF;
	s22 =	sshll.u32 s8, $0x1;
	s5 =	sadd.s32 s6, s20  }
0x9e: {  	s9 =	simm.s32 $0x0;
	s21 =	sshll.u32 s7, $0x1;
	s7 =	sadd.s32 s22, s5  }
0x9f: {  	[timem:s9], [sflag:s23] =	dma.local [hbm:s7], s21  }
0xa0: {  	_ =	swait.ge [sflag:s23], s21  }
0xa1: {  	s6 =	ssub.s32 $0x0, s21;
	[sflag:s23] =	ssyncset.done $0x0  }
0xa2: {  	[sflag:s23] =	ssyncadd.s32 s6;
	_ =	sdelay $0x1  }
0xa3: {  	s24 =	simm.s32 $0x1B8B  }
0xa4: {  	_ =	swait.ge [sflag:s24], $0x1  }
0xa5: {  	[sflag:s24] =	ssyncset.done $0x0  }
0xa6: {  	s25 =	simm.s32 $0x1B8E;
	[sflag:s24] =	ssyncadd.s32 $0xFFFFFFFF  }
0xa7: {  	s26 =	simm.s32 $execute0_lowered;
	[smem:$0x3FD2] =	sst s25  }
0xa8: {  	s6 =	sshll.u32 s26, $0x1;
	_ =	strace $0x80000046;
	[dreg:$0x1] =	wrdreg $0xFFFFFFFF  }
0xa9: {  	s28 =	simm.s32 $_size_execute0_lowered;
	s5 =	sadd.s32 s5, s6;
	[dreg:$0x0] =	wrdreg $0x0  }
0xaa: {  	s6 =	sshll.u32 s28, $0x1;
	[dreg:$0x2] =	wrdreg s5  }
0xab: {  	[dreg:$0x3] =	wrdreg s6  }
0xac: {  	[dreg:$0x4] =	wrdreg $0xC0  }
0xad: {  	_ =	task [dreg:s9], $0x5FFFF  }
0xae: {  	[dreg:$0x1] =	wrdreg $0xFFFFFFFF  }
0xaf: {  	[dreg:$0x0] =	wrdreg $0x60  }
0xb0: {  	[dreg:$0x2] =	wrdreg s2  }
0xb1: {  	[dreg:$0x3] =	wrdreg s19  }
0xb2: {  	[dreg:$0x4] =	wrdreg s4  }
0xb3: {  	[dreg:$0x5] =	wrdreg $0x9  }
0xb4: {  	_ =	task.clear_ibuf [dreg:s9], $0x6FFFF;
	_ =	strace $0x90000046  }
0xb5: {  	s29 =	simm.s32 $0x9;
	_ =	strace $0x80000048  }
0xb6: {  	_ =	swait.ge [sflag:s29], $0x1  }
0xb7: {  	[sflag:s29] =	ssyncadd.s32 $0xFFFFFFFF  }
0xb8: {  	_ =	strace $0x90000048  }
0xb9: {  	_ =	sfence  }
0xba: {  	s30 =	sld [smem:$0x0];
	_ =	sdelay $0x2  }
0xbb: {  	s31 =	sshll.u32 s1, $0xD;
	s1 =	sshrl.u32 s1, $0x2  }
0xbc: {  	s3 =	sand.u32 $0x4000, s31;
	s1 =	sadd.s32 s1, s30  }
0xbd: {  	s0 =	sor.u32 s3, s0;
	s1 =	sshll.u32 s1, $0x11  }
0xbe: {  	s0 =	sor.u32 s1, s0  }
0xbf: {  	s0 =	sadd.s32 $0x8F2B, s0  }
0xc0: {  	[sflag:s0] =	ssyncadd.remote.s32 $0x1  }
0xc1: {  	_ =	sfence.sel $0xFFFF  }
0xc2: {  	[dreg:$0x0] =	wrdreg $0xFFFFFFFF;
	(pc) =	sbr.abs _section_cstart, $3  }
0xc3: {  	[dreg:$0x1] =	wrdreg $0xFFFFFFFF  }
0xc4: {  	_ =	task.clear_ibuf [dreg:s9], $0x2FFFF;
	_ =	strace $0x9FFFFFFF  }
0xc5: {  	(tm) =	ssettm $0x7FFFFFFF  }
tec
execute0_lowered:
.L_overlay_start_1:
0x0: {  	(tag) =	ssettag $0x1  }
0x1: {  	s1 =	rddreg [dreg:$0x0]  }
0x2: {  	s12 =	rddreg [dreg:$0x1];
	s9 =	stileid.u32  }
0x3: {  	s0 =	srdreg.scid;
	s8 =	smul.u32 $0x1E0000, s9  }
0x4: {  	s2 =	rddreg [dreg:$0x2];
	s4 =	simm.s32 $0x0;
	s16 =	smul.u32 $0x1E00, s9  }
0x5: {  	s29 =	simm.s32 $0x4;
	s0 =	sand.u32 $0x1, s0;
	s23 =	smul.u32 $0x3C000, s9  }
0x6: {  	s30 =	simm.s32 $0x3;
	s31 =	simm.s32 $0x10180;
	s15 =	smul.u32 $0xF0000, s0  }
0x7: {  	s28 =	simm.s32 $0x8;
	s3 =	sshll.u32 s9, $0x1;
	s18 =	smul.u32 $0xF00, s0  }
0x8: {  	s3 =	sor.u32 s0, s3;
	s6 =	ssub.s32 $0x2, s0;
	s0 =	smul.u32 $0x1E000, s0  }
0x9: {  	[smem:$0x7FF] =	sst s4;
	s9 =	simm.s32 $0x8180;
	s5 =	smul.u32 $0xF00, s3  }
0xa: {  	_ =	strace $0x80000047;
	s3 =	smul.u32 $0xF0000, s3;
	s7 =	sshrl.u32 s6, $0x1  }
0xb: {  	s6 =	ssub.s32 s6, s7;
	s21 =	sadd.s32 s18, s16;
	s18 =	simm.s32 $0x1  }
0xc: {  	s16 =	simm.s32 $0x15180;
	s5 =	sshrl.u32 s5, $0x3;
	s6 =	smax.u32 s6, $0x1  }
0xd: {  	s3 =	sshrl.u32 s3, $0x3;
	s22 =	sadd.s32 $0x280, s21;
	s24 =	sadd.s32 $0x200, s21  }
0xe: {  	s26 =	sadd.s32 $0x180, s21;
	s21 =	simm.s32 $0x16980;
	s14 =	sadd.s32 s12, s5  }
0xf: {  	[dreg:$0x7] =	wrdreg s6;
	s5 =	sadd.s32 s15, s8;
	s3 =	sadd.s32 s2, s3  }
0x10: {  	s25 =	sshrl.u32 s24, $0x3;
	[dreg:$0xb] =	wrdreg s26;
	s8 =	simm.s32 $0x2  }
0x11: {  	s24 =	simm.s32 $0x5;
	s10 =	sadd.s32 $0x10, s14;
	[dreg:$0x4] =	wrdreg s14  }
0x12: {  	s26 =	simm.s32 $0x7;
	s7 =	sadd.s32 $0x20, s14;
	[dreg:$0x5] =	wrdreg s10  }
0x13: {  	s6 =	simm.s32 $0x0;
	s3 =	sadd.s32 $0x1D000, s3;
	[dreg:$0x6] =	wrdreg s7  }
0x14: {  	s17 =	sadd.s32 $0x10000, s5;
	s5 =	sor.u32 $0x8000, s5;
	[dreg:$0x8] =	wrdreg s3  }
0x15: {  	s19 =	sshrl.u32 s17, $0x3;
	s20 =	sshrl.u32 s5, $0x3;
	s3 =	sshrl.u32 s22, $0x3  }
0x16: {  	s5 =	simm.s32 $0x14180;
	s17 =	simm.s32 $0x15980;
	s22 =	simm.s32 $0x17180  }
.Ltmp0:
0x17: {  	s10 =	sadd.s32 s19, s2;
	s11 =	sadd.s32 s20, s2;
	(pc) =	sbr.rel .LBB2_1-.Ltmp0, $4  }
0x18: {  	s3 =	sadd.s32 s3, s12;
	s2 =	sadd.s32 s23, s2;
	s19 =	simm.s32 $0x180  }
0x19: {  	v2 =	vlaneseq.u32;
	s20 =	simm.s32 $0x16180;
	s23 =	simm.s32 $0x17980;
	[dreg:$0x9] =	wrdreg s3  }
0x1a: {  	vm0 =	vmmov $0xffff;
	v1 =	vshrl.u32 v2, $0x3;
	s3 =	sadd.s32 s25, s12;
	s15 =	sadd.s32 s0, s2;
	s25 =	simm.s32 $0x6  }
0x1b: {  	v0 =	vand.u32 $0x7, v2;
	v2 =	vor.u32 $0x8, v2;
	v1 =	vmul.u32 $0x8, v1;
	s2 =	simm.s32 $0x9;
	[dreg:$0xa] =	wrdreg s3;
	s3 =	simm.s32 $0x14980  }
.LBB2_4:
0x1c: {  	_ =	swait.ge [sflag:s25], $0x8000  }
0x1d: {  	[sflag:s25] =	ssyncset.done $0x0  }
0x1e: {  	s0 =	rddreg [dreg:$0x8];
	[sflag:s25] =	ssyncadd.s32 $0xFFFF8000  }
0x1f: {  	[hbm4b:s0+s4] =	stream.linear.scatter [tilespmem:s31], [sflag:$0x9], $0x8000, $0x38;
	[tilespmem:$0x18180] =	vst v63  }
0x20: {  	_ =	swait.ge [sflag:s26], $0x8000  }
0x21: {  	[sflag:s26] =	ssyncset.done $0x0  }
0x22: {  	[sflag:s26] =	ssyncadd.s32 $0xFFFF8000  }
0x23: {  	_ =	swait.ge [sflag:s28], $0x8000  }
0x24: {  	[sflag:s28] =	ssyncset.done $0x0  }
0x25: {  	[sflag:s28] =	ssyncadd.s32 $0xFFFF8000  }
0x26: {  	_ =	swait.ge [sflag:s2], $0x8000  }
0x27: {  	s6 =	rddreg [dreg:$0xc]  }
0x28: {  	s14 =	rddreg [dreg:$0x7];
	s6 =	sadd.s32 $0x1, s6  }
0x29: {  	p0 =	sne.s32 s6, s14  }
.Ltmp1:
0x2a: {  	_ = 	snop;
	(pc) =	sbr.rel @!p0 .LBB2_5-.Ltmp1, $3  }
0x2b: {  	_ =	sdelay $0x1  }
0x2c: {  	[sflag:s2] =	ssyncset.done $0x0  }
0x2d: {  	[sflag:s2] =	ssyncadd.s32 $0xFFFF8000  }
.LBB2_1:
0x2e: {  	[dreg:$0xc] =	wrdreg s6  }
0x2f: {  	s0 =	rddreg [dreg:$0x4]  }
0x30: {  	[tilespmem:s4], [sflag:$0x1] =	stream.linear.gather [hbm4b:s0+s4], $0x80, $0x38;
	[tilespmem:$0x18180] =	vst v63  }
0x31: {  	s7 =	rddreg [dreg:$0x5];
	s12 =	simm.s32 $0x80  }
0x32: {  	[tilespmem:s12], [sflag:$0x2] =	stream.linear.gather [hbm4b:s7+s4], $0x80, $0x38;
	[tilespmem:$0x18180] =	vst v63  }
0x33: {  	s13 =	rddreg [dreg:$0x6];
	s14 =	simm.s32 $0x100  }
0x34: {  	[tilespmem:s14], [sflag:$0x3] =	stream.linear.gather [hbm4b:s13+s4], $0x80, $0x38;
	[tilespmem:$0x18180] =	vst v63  }
0x35: {  	_ =	swait.ge [sflag:s18], $0x80  }
0x36: {  	[sflag:s18] =	ssyncset.done $0x0  }
0x37: {  	[sflag:s18] =	ssyncadd.s32 $0xFFFFFF80  }
0x38: {  	v3 =	vld [tilespmem:$0x0];
	_ =	sdelay $0x4  }
0x39: {  	v4 =	vshll.u32 v3, $0x1  }
0x3a: {  	v3 =	vand.u32 $0x7, v3;
	v4 =	vand.u32 $0xFFFFFFF0, v4  }
0x3b: {  	v3 =	vor.u32 v3, v4  }
0x3c: {  	v4 =	vperm.xlane v3, v0;
	_ =	sdelay $0x1  }
0x3d: {  	v3 =	vperm.xlane v3, v2;
	v4 =	vadd.s32 v1, v4;
	_ =	sdelay $0x1  }
0x3e: {  	v3 =	vadd.s32 v1, v3;
	_ =	sdelay $0x2  }
0x3f: {  	[tilespmem:s19], [sflag:$0x4] =	stream.indirect_vreg.gather [hbm4b:s1+s4], $0x80, v4, vm0, $0xb8;
	[tilespmem:$0x18180] =	vst v63  }
0x40: {  	s6 =	simm.s32 $0x980  }
0x41: {  	[tilespmem:s6], [sflag:$0x4] =	stream.indirect_vreg.gather [hbm4b:s1+s4], $0x80, v3, vm0, $0xb8;
	[tilespmem:$0x18180] =	vst v63  }
0x42: {  	v3 =	vld [tilespmem:$0x10];
	_ =	sdelay $0x4  }
0x43: {  	v49 =	vshll.u32 v3, $0x1  }
0x44: {  	v3 =	vand.u32 $0x7, v3;
	v4 =	vand.u32 $0xFFFFFFF0, v49  }
0x45: {  	v3 =	vor.u32 v3, v4  }
0x46: {  	v4 =	vperm.xlane v3, v0;
	_ =	sdelay $0x1  }
0x47: {  	v3 =	vperm.xlane v3, v2;
	v4 =	vadd.s32 v1, v4;
	_ =	sdelay $0x1  }
0x48: {  	v3 =	vadd.s32 v1, v3;
	_ =	sdelay $0x1  }
0x49: {  	s7 =	simm.s32 $0x1180  }
0x4a: {  	[tilespmem:s7], [sflag:$0x4] =	stream.indirect_vreg.gather [hbm4b:s1+s4], $0x80, v4, vm0, $0xb8;
	[tilespmem:$0x18180] =	vst v63  }
0x4b: {  	s12 =	simm.s32 $0x1980  }
0x4c: {  	[tilespmem:s12], [sflag:$0x4] =	stream.indirect_vreg.gather [hbm4b:s1+s4], $0x80, v3, vm0, $0xb8;
	[tilespmem:$0x18180] =	vst v63  }
0x4d: {  	v3 =	vld [tilespmem:$0x20];
	_ =	sdelay $0x4  }
0x4e: {  	v50 =	vshll.u32 v3, $0x1  }
0x4f: {  	v3 =	vand.u32 $0x7, v3;
	v4 =	vand.u32 $0xFFFFFFF0, v50  }
0x50: {  	v3 =	vor.u32 v3, v4  }
0x51: {  	v4 =	vperm.xlane v3, v0;
	_ =	sdelay $0x1  }
0x52: {  	v3 =	vperm.xlane v3, v2;
	v4 =	vadd.s32 v1, v4;
	_ =	sdelay $0x1  }
0x53: {  	v3 =	vadd.s32 v1, v3;
	_ =	sdelay $0x1  }
0x54: {  	s13 =	simm.s32 $0x2180  }
0x55: {  	[tilespmem:s13], [sflag:$0x4] =	stream.indirect_vreg.gather [hbm4b:s1+s4], $0x80, v4, vm0, $0xb8;
	[tilespmem:$0x18180] =	vst v63  }
0x56: {  	s14 =	simm.s32 $0x2980  }
0x57: {  	[tilespmem:s14], [sflag:$0x4] =	stream.indirect_vreg.gather [hbm4b:s1+s4], $0x80, v3, vm0, $0xb8;
	[tilespmem:$0x18180] =	vst v63  }
0x58: {  	v3 =	vld [tilespmem:$0x30];
	_ =	sdelay $0x4  }
0x59: {  	v51 =	vshll.u32 v3, $0x1  }
0x5a: {  	v3 =	vand.u32 $0x7, v3;
	v4 =	vand.u32 $0xFFFFFFF0, v51  }
0x5b: {  	v3 =	vor.u32 v3, v4  }
0x5c: {  	v4 =	vperm.xlane v3, v0;
	_ =	sdelay $0x1  }
0x5d: {  	v3 =	vperm.xlane v3, v2;
	v4 =	vadd.s32 v1, v4;
	_ =	sdelay $0x1  }
0x5e: {  	v3 =	vadd.s32 v1, v3;
	_ =	sdelay $0x1  }
0x5f: {  	s6 =	simm.s32 $0x3180  }
0x60: {  	[tilespmem:s6], [sflag:$0x4] =	stream.indirect_vreg.gather [hbm4b:s1+s4], $0x80, v4, vm0, $0xb8;
	[tilespmem:$0x18180] =	vst v63  }
0x61: {  	s7 =	simm.s32 $0x3980  }
0x62: {  	[tilespmem:s7], [sflag:$0x4] =	stream.indirect_vreg.gather [hbm4b:s1+s4], $0x80, v3, vm0, $0xb8;
	[tilespmem:$0x18180] =	vst v63  }
0x63: {  	v3 =	vld [tilespmem:$0x40];
	_ =	sdelay $0x4  }
0x64: {  	v52 =	vshll.u32 v3, $0x1  }
0x65: {  	v3 =	vand.u32 $0x7, v3;
	v4 =	vand.u32 $0xFFFFFFF0, v52  }
0x66: {  	v3 =	vor.u32 v3, v4  }
0x67: {  	v4 =	vperm.xlane v3, v0;
	_ =	sdelay $0x1  }
0x68: {  	v3 =	vperm.xlane v3, v2;
	v4 =	vadd.s32 v1, v4;
	_ =	sdelay $0x1  }
0x69: {  	v3 =	vadd.s32 v1, v3;
	_ =	sdelay $0x1  }
0x6a: {  	s12 =	simm.s32 $0x4180  }
0x6b: {  	[tilespmem:s12], [sflag:$0x4] =	stream.indirect_vreg.gather [hbm4b:s1+s4], $0x80, v4, vm0, $0xb8;
	[tilespmem:$0x18180] =	vst v63  }
0x6c: {  	s13 =	simm.s32 $0x4980  }
0x6d: {  	[tilespmem:s13], [sflag:$0x4] =	stream.indirect_vreg.gather [hbm4b:s1+s4], $0x80, v3, vm0, $0xb8;
	[tilespmem:$0x18180] =	vst v63  }
0x6e: {  	v3 =	vld [tilespmem:$0x50];
	_ =	sdelay $0x4  }
0x6f: {  	v53 =	vshll.u32 v3, $0x1  }
0x70: {  	v3 =	vand.u32 $0x7, v3;
	v4 =	vand.u32 $0xFFFFFFF0, v53  }
0x71: {  	v3 =	vor.u32 v3, v4  }
0x72: {  	v4 =	vperm.xlane v3, v0;
	_ =	sdelay $0x1  }
0x73: {  	v3 =	vperm.xlane v3, v2;
	v4 =	vadd.s32 v1, v4;
	_ =	sdelay $0x1  }
0x74: {  	v3 =	vadd.s32 v1, v3;
	_ =	sdelay $0x1  }
0x75: {  	s14 =	simm.s32 $0x5180  }
0x76: {  	[tilespmem:s14], [sflag:$0x4] =	stream.indirect_vreg.gather [hbm4b:s1+s4], $0x80, v4, vm0, $0xb8;
	[tilespmem:$0x18180] =	vst v63  }
0x77: {  	s6 =	simm.s32 $0x5980  }
0x78: {  	[tilespmem:s6], [sflag:$0x4] =	stream.indirect_vreg.gather [hbm4b:s1+s4], $0x80, v3, vm0, $0xb8;
	[tilespmem:$0x18180] =	vst v63  }
0x79: {  	v3 =	vld [tilespmem:$0x60];
	_ =	sdelay $0x4  }
0x7a: {  	v54 =	vshll.u32 v3, $0x1  }
0x7b: {  	v3 =	vand.u32 $0x7, v3;
	v4 =	vand.u32 $0xFFFFFFF0, v54  }
0x7c: {  	v3 =	vor.u32 v3, v4  }
0x7d: {  	v4 =	vperm.xlane v3, v0;
	_ =	sdelay $0x1  }
0x7e: {  	v3 =	vperm.xlane v3, v2;
	v4 =	vadd.s32 v1, v4;
	_ =	sdelay $0x1  }
0x7f: {  	v3 =	vadd.s32 v1, v3;
	_ =	sdelay $0x1  }
0x80: {  	s7 =	simm.s32 $0x6180  }
0x81: {  	[tilespmem:s7], [sflag:$0x4] =	stream.indirect_vreg.gather [hbm4b:s1+s4], $0x80, v4, vm0, $0xb8;
	[tilespmem:$0x18180] =	vst v63  }
0x82: {  	s12 =	simm.s32 $0x6980  }
0x83: {  	[tilespmem:s12], [sflag:$0x4] =	stream.indirect_vreg.gather [hbm4b:s1+s4], $0x80, v3, vm0, $0xb8;
	[tilespmem:$0x18180] =	vst v63  }
0x84: {  	v3 =	vld [tilespmem:$0x70];
	_ =	sdelay $0x4  }
0x85: {  	v55 =	vshll.u32 v3, $0x1  }
0x86: {  	v3 =	vand.u32 $0x7, v3;
	v4 =	vand.u32 $0xFFFFFFF0, v55  }
0x87: {  	v3 =	vor.u32 v3, v4  }
0x88: {  	v4 =	vperm.xlane v3, v0;
	_ =	sdelay $0x1  }
0x89: {  	v3 =	vperm.xlane v3, v2;
	v4 =	vadd.s32 v1, v4;
	_ =	sdelay $0x1  }
0x8a: {  	v3 =	vadd.s32 v1, v3;
	_ =	sdelay $0x1  }
0x8b: {  	s13 =	simm.s32 $0x7180  }
0x8c: {  	[tilespmem:s13], [sflag:$0x4] =	stream.indirect_vreg.gather [hbm4b:s1+s4], $0x80, v4, vm0, $0xb8;
	[tilespmem:$0x18180] =	vst v63  }
0x8d: {  	s14 =	simm.s32 $0x7980  }
0x8e: {  	[tilespmem:s14], [sflag:$0x4] =	stream.indirect_vreg.gather [hbm4b:s1+s4], $0x80, v3, vm0, $0xb8;
	[tilespmem:$0x18180] =	vst v63  }
0x8f: {  	_ =	swait.ge [sflag:s8], $0x80  }
0x90: {  	[sflag:s8] =	ssyncset.done $0x0  }
0x91: {  	[sflag:s8] =	ssyncadd.s32 $0xFFFFFF80  }
0x92: {  	v3 =	vld [tilespmem:$0x80];
	_ =	sdelay $0x4  }
0x93: {  	v56 =	vshll.u32 v3, $0x1  }
0x94: {  	v3 =	vand.u32 $0x7, v3;
	v4 =	vand.u32 $0xFFFFFFF0, v56  }
0x95: {  	v3 =	vor.u32 v3, v4  }
0x96: {  	v4 =	vperm.xlane v3, v0;
	_ =	sdelay $0x1  }
0x97: {  	v3 =	vperm.xlane v3, v2;
	v4 =	vadd.s32 v1, v4;
	_ =	sdelay $0x1  }
0x98: {  	v3 =	vadd.s32 v1, v3;
	_ =	sdelay $0x2  }
0x99: {  	[tilespmem:s9], [sflag:$0x5] =	stream.indirect_vreg.gather [hbm4b:s1+s4], $0x80, v4, vm0, $0xb8;
	[tilespmem:$0x18180] =	vst v63  }
0x9a: {  	s6 =	simm.s32 $0x8980  }
0x9b: {  	[tilespmem:s6], [sflag:$0x5] =	stream.indirect_vreg.gather [hbm4b:s1+s4], $0x80, v3, vm0, $0xb8;
	[tilespmem:$0x18180] =	vst v63  }
0x9c: {  	v3 =	vld [tilespmem:$0x90];
	_ =	sdelay $0x4  }
0x9d: {  	v57 =	vshll.u32 v3, $0x1  }
0x9e: {  	v3 =	vand.u32 $0x7, v3;
	v4 =	vand.u32 $0xFFFFFFF0, v57  }
0x9f: {  	v3 =	vor.u32 v3, v4  }
0xa0: {  	v4 =	vperm.xlane v3, v0;
	_ =	sdelay $0x1  }
0xa1: {  	v3 =	vperm.xlane v3, v2;
	v4 =	vadd.s32 v1, v4;
	_ =	sdelay $0x1  }
0xa2: {  	v3 =	vadd.s32 v1, v3;
	_ =	sdelay $0x1  }
0xa3: {  	s7 =	simm.s32 $0x9180  }
0xa4: {  	[tilespmem:s7], [sflag:$0x5] =	stream.indirect_vreg.gather [hbm4b:s1+s4], $0x80, v4, vm0, $0xb8;
	[tilespmem:$0x18180] =	vst v63  }
0xa5: {  	s12 =	simm.s32 $0x9980  }
0xa6: {  	[tilespmem:s12], [sflag:$0x5] =	stream.indirect_vreg.gather [hbm4b:s1+s4], $0x80, v3, vm0, $0xb8;
	[tilespmem:$0x18180] =	vst v63  }
0xa7: {  	v3 =	vld [tilespmem:$0xA0];
	_ =	sdelay $0x4  }
0xa8: {  	v58 =	vshll.u32 v3, $0x1  }
0xa9: {  	v3 =	vand.u32 $0x7, v3;
	v4 =	vand.u32 $0xFFFFFFF0, v58  }
0xaa: {  	v3 =	vor.u32 v3, v4  }
0xab: {  	v4 =	vperm.xlane v3, v0;
	_ =	sdelay $0x1  }
0xac: {  	v3 =	vperm.xlane v3, v2;
	v4 =	vadd.s32 v1, v4;
	_ =	sdelay $0x1  }
0xad: {  	v3 =	vadd.s32 v1, v3;
	_ =	sdelay $0x1  }
0xae: {  	s13 =	simm.s32 $0xA180  }
0xaf: {  	[tilespmem:s13], [sflag:$0x5] =	stream.indirect_vreg.gather [hbm4b:s1+s4], $0x80, v4, vm0, $0xb8;
	[tilespmem:$0x18180] =	vst v63  }
0xb0: {  	s14 =	simm.s32 $0xA980  }
0xb1: {  	[tilespmem:s14], [sflag:$0x5] =	stream.indirect_vreg.gather [hbm4b:s1+s4], $0x80, v3, vm0, $0xb8;
	[tilespmem:$0x18180] =	vst v63  }
0xb2: {  	v3 =	vld [tilespmem:$0xB0];
	_ =	sdelay $0x4  }
0xb3: {  	v59 =	vshll.u32 v3, $0x1  }
0xb4: {  	v3 =	vand.u32 $0x7, v3;
	v4 =	vand.u32 $0xFFFFFFF0, v59  }
0xb5: {  	v3 =	vor.u32 v3, v4  }
0xb6: {  	v4 =	vperm.xlane v3, v0;
	_ =	sdelay $0x1  }
0xb7: {  	v3 =	vperm.xlane v3, v2;
	v4 =	vadd.s32 v1, v4;
	_ =	sdelay $0x1  }
0xb8: {  	v3 =	vadd.s32 v1, v3;
	_ =	sdelay $0x1  }
0xb9: {  	s6 =	simm.s32 $0xB180  }
0xba: {  	[tilespmem:s6], [sflag:$0x5] =	stream.indirect_vreg.gather [hbm4b:s1+s4], $0x80, v4, vm0, $0xb8;
	[tilespmem:$0x18180] =	vst v63  }
0xbb: {  	s7 =	simm.s32 $0xB980  }
0xbc: {  	[tilespmem:s7], [sflag:$0x5] =	stream.indirect_vreg.gather [hbm4b:s1+s4], $0x80, v3, vm0, $0xb8;
	[tilespmem:$0x18180] =	vst v63  }
0xbd: {  	v3 =	vld [tilespmem:$0xC0];
	_ =	sdelay $0x4  }
0xbe: {  	v60 =	vshll.u32 v3, $0x1  }
0xbf: {  	v3 =	vand.u32 $0x7, v3;
	v4 =	vand.u32 $0xFFFFFFF0, v60  }
0xc0: {  	v3 =	vor.u32 v3, v4  }
0xc1: {  	v4 =	vperm.xlane v3, v0;
	_ =	sdelay $0x1  }
0xc2: {  	v3 =	vperm.xlane v3, v2;
	v4 =	vadd.s32 v1, v4;
	_ =	sdelay $0x1  }
0xc3: {  	v3 =	vadd.s32 v1, v3;
	_ =	sdelay $0x1  }
0xc4: {  	s12 =	simm.s32 $0xC180  }
0xc5: {  	[tilespmem:s12], [sflag:$0x5] =	stream.indirect_vreg.gather [hbm4b:s1+s4], $0x80, v4, vm0, $0xb8;
	[tilespmem:$0x18180] =	vst v63  }
0xc6: {  	s13 =	simm.s32 $0xC980  }
0xc7: {  	[tilespmem:s13], [sflag:$0x5] =	stream.indirect_vreg.gather [hbm4b:s1+s4], $0x80, v3, vm0, $0xb8;
	[tilespmem:$0x18180] =	vst v63  }
0xc8: {  	v3 =	vld [tilespmem:$0xD0];
	_ =	sdelay $0x4  }
0xc9: {  	v61 =	vshll.u32 v3, $0x1  }
0xca: {  	v3 =	vand.u32 $0x7, v3;
	v4 =	vand.u32 $0xFFFFFFF0, v61  }
0xcb: {  	v3 =	vor.u32 v3, v4  }
0xcc: {  	v4 =	vperm.xlane v3, v0;
	_ =	sdelay $0x1  }
0xcd: {  	v3 =	vperm.xlane v3, v2;
	v4 =	vadd.s32 v1, v4;
	_ =	sdelay $0x1  }
0xce: {  	v3 =	vadd.s32 v1, v3;
	_ =	sdelay $0x1  }
0xcf: {  	s14 =	simm.s32 $0xD180  }
0xd0: {  	[tilespmem:s14], [sflag:$0x5] =	stream.indirect_vreg.gather [hbm4b:s1+s4], $0x80, v4, vm0, $0xb8;
	[tilespmem:$0x18180] =	vst v63  }
0xd1: {  	s6 =	simm.s32 $0xD980  }
0xd2: {  	[tilespmem:s6], [sflag:$0x5] =	stream.indirect_vreg.gather [hbm4b:s1+s4], $0x80, v3, vm0, $0xb8;
	[tilespmem:$0x18180] =	vst v63  }
0xd3: {  	v3 =	vld [tilespmem:$0xE0];
	_ =	sdelay $0x4  }
0xd4: {  	v62 =	vshll.u32 v3, $0x1  }
0xd5: {  	v3 =	vand.u32 $0x7, v3;
	v4 =	vand.u32 $0xFFFFFFF0, v62  }
0xd6: {  	v3 =	vor.u32 v3, v4  }
0xd7: {  	v4 =	vperm.xlane v3, v0;
	_ =	sdelay $0x1  }
0xd8: {  	v3 =	vperm.xlane v3, v2;
	v4 =	vadd.s32 v1, v4;
	_ =	sdelay $0x1  }
0xd9: {  	v3 =	vadd.s32 v1, v3;
	_ =	sdelay $0x1  }
0xda: {  	s7 =	simm.s32 $0xE180  }
0xdb: {  	[tilespmem:s7], [sflag:$0x5] =	stream.indirect_vreg.gather [hbm4b:s1+s4], $0x80, v4, vm0, $0xb8;
	[tilespmem:$0x18180] =	vst v63  }
0xdc: {  	s12 =	simm.s32 $0xE980  }
0xdd: {  	[tilespmem:s12], [sflag:$0x5] =	stream.indirect_vreg.gather [hbm4b:s1+s4], $0x80, v3, vm0, $0xb8;
	[tilespmem:$0x18180] =	vst v63  }
0xde: {  	v3 =	vld [tilespmem:$0xF0];
	_ =	sdelay $0x4  }
0xdf: {  	v63 =	vshll.u32 v3, $0x1  }
0xe0: {  	v3 =	vand.u32 $0x7, v3;
	v4 =	vand.u32 $0xFFFFFFF0, v63  }
0xe1: {  	v3 =	vor.u32 v3, v4  }
0xe2: {  	v4 =	vperm.xlane v3, v0;
	_ =	sdelay $0x1  }
0xe3: {  	v3 =	vperm.xlane v3, v2;
	v4 =	vadd.s32 v1, v4;
	_ =	sdelay $0x1  }
0xe4: {  	v3 =	vadd.s32 v1, v3  }
0xe5: {  	s0 =	rddreg [dreg:$0xb]  }
0xe6: {  	s13 =	simm.s32 $0xF180;
	s6 =	rddreg [dreg:$0xa]  }
0xe7: {  	[tilespmem:s13], [sflag:$0x5] =	stream.indirect_vreg.gather [hbm4b:s1+s4], $0x80, v4, vm0, $0xb8;
	[tilespmem:$0x18180] =	vst v63  }
0xe8: {  	s14 =	simm.s32 $0xF980;
	s7 =	rddreg [dreg:$0x9];
	s12 =	simm.s32 $0x0  }
0xe9: {  	[tilespmem:s14], [sflag:$0x5] =	stream.indirect_vreg.gather [hbm4b:s1+s4], $0x80, v3, vm0, $0xb8;
	[tilespmem:$0x18180] =	vst v63  }
.LBB2_2:
0xea: {  	_ =	swait.ge [sflag:s29], $0x8000  }
0xeb: {  	[sflag:s29] =	ssyncset.done $0x0  }
0xec: {  	s13 =	sadd.s32 s12, s15;
	p0 =	seq.s32 s12, $0x1B000;
	[sflag:s29] =	ssyncadd.s32 $0xFFFF8000  }
0xed: {  	[hbm4b:s13+s4] =	stream.linear.scatter [tilespmem:s19], [sflag:$0x7], $0x8000, $0x38;
	[tilespmem:$0x18180] =	vst v63  }
0xee: {  	s13 =	sshrl.u32 @!p0 s0, $0x3;
	s14 =	rddreg [dreg:$0x1]  }
0xef: {  	s13 =	sadd.s32 @!p0 s14, s13;
	s14 =	simm.s32 @!p0 $0x0  }
0xf0: {  	[tilespmem:s14], [sflag:$0x1] =	stream.linear.gather @!p0 [hbm4b:s13+s14], $0x80, $0x38;
	[tilespmem:$0x18180] =	vst v63  }
0xf1: {  	_ =	swait.ge [sflag:s30], $0x80  }
0xf2: {  	p1 =	sne.s32 @!p0 s12, $0x0;
	[sflag:s30] =	ssyncset.done $0x0  }
0xf3: {  	p1 =	por p0, p1;
	[sflag:s30] =	ssyncadd.s32 $0xFFFFFF80  }
0xf4: {  	_ =	swait.ge @p1 [sflag:s2], $0x8000  }
0xf5: {  	[sflag:s2] =	ssyncset.done @p1 $0x0  }
0xf6: {  	[sflag:s2] =	ssyncadd.s32 @p1 $0xFFFF8000  }
0xf7: {  	v3 =	vld [tilespmem:$0x100];
	_ =	sdelay $0x4  }
0xf8: {  	v4 =	vshll.u32 v3, $0x1  }
0xf9: {  	v3 =	vand.u32 $0x7, v3;
	v4 =	vand.u32 $0xFFFFFFF0, v4  }
0xfa: {  	v3 =	vor.u32 v3, v4  }
0xfb: {  	v4 =	vperm.xlane v3, v0;
	_ =	sdelay $0x1  }
0xfc: {  	v3 =	vperm.xlane v3, v2;
	v4 =	vadd.s32 v1, v4;
	_ =	sdelay $0x1  }
0xfd: {  	v3 =	vadd.s32 v1, v3;
	_ =	sdelay $0x2  }
0xfe: {  	[tilespmem:s31], [sflag:$0x6] =	stream.indirect_vreg.gather [hbm4b:s1+s4], $0x80, v4, vm0, $0xb8;
	[tilespmem:$0x18180] =	vst v63  }
0xff: {  	s14 =	simm.s32 $0x10980  }
0x100: {  	[tilespmem:s14], [sflag:$0x6] =	stream.indirect_vreg.gather [hbm4b:s1+s4], $0x80, v3, vm0, $0xb8;
	[tilespmem:$0x18180] =	vst v63  }
0x101: {  	v3 =	vld [tilespmem:$0x110];
	_ =	sdelay $0x4  }
0x102: {  	v57 =	vshll.u32 v3, $0x1  }
0x103: {  	v3 =	vand.u32 $0x7, v3;
	v4 =	vand.u32 $0xFFFFFFF0, v57  }
0x104: {  	v3 =	vor.u32 v3, v4  }
0x105: {  	v4 =	vperm.xlane v3, v0;
	_ =	sdelay $0x1  }
0x106: {  	v3 =	vperm.xlane v3, v2;
	v4 =	vadd.s32 v1, v4;
	_ =	sdelay $0x1  }
0x107: {  	v3 =	vadd.s32 v1, v3;
	_ =	sdelay $0x1  }
0x108: {  	s14 =	simm.s32 $0x11180  }
0x109: {  	[tilespmem:s14], [sflag:$0x6] =	stream.indirect_vreg.gather [hbm4b:s1+s4], $0x80, v4, vm0, $0xb8;
	[tilespmem:$0x18180] =	vst v63  }
0x10a: {  	s14 =	simm.s32 $0x11980  }
0x10b: {  	[tilespmem:s14], [sflag:$0x6] =	stream.indirect_vreg.gather [hbm4b:s1+s4], $0x80, v3, vm0, $0xb8;
	[tilespmem:$0x18180] =	vst v63  }
0x10c: {  	v3 =	vld [tilespmem:$0x120];
	_ =	sdelay $0x4  }
0x10d: {  	v58 =	vshll.u32 v3, $0x1  }
0x10e: {  	v3 =	vand.u32 $0x7, v3;
	v4 =	vand.u32 $0xFFFFFFF0, v58  }
0x10f: {  	v3 =	vor.u32 v3, v4  }
0x110: {  	v4 =	vperm.xlane v3, v0;
	_ =	sdelay $0x1  }
0x111: {  	v3 =	vperm.xlane v3, v2;
	v4 =	vadd.s32 v1, v4;
	_ =	sdelay $0x1  }
0x112: {  	v3 =	vadd.s32 v1, v3;
	_ =	sdelay $0x1  }
0x113: {  	s14 =	simm.s32 $0x12180  }
0x114: {  	[tilespmem:s14], [sflag:$0x6] =	stream.indirect_vreg.gather [hbm4b:s1+s4], $0x80, v4, vm0, $0xb8;
	[tilespmem:$0x18180] =	vst v63  }
0x115: {  	s14 =	simm.s32 $0x12980  }
0x116: {  	[tilespmem:s14], [sflag:$0x6] =	stream.indirect_vreg.gather [hbm4b:s1+s4], $0x80, v3, vm0, $0xb8;
	[tilespmem:$0x18180] =	vst v63  }
0x117: {  	v3 =	vld [tilespmem:$0x130];
	_ =	sdelay $0x4  }
0x118: {  	v59 =	vshll.u32 v3, $0x1  }
0x119: {  	v3 =	vand.u32 $0x7, v3;
	v4 =	vand.u32 $0xFFFFFFF0, v59  }
0x11a: {  	v3 =	vor.u32 v3, v4  }
0x11b: {  	v4 =	vperm.xlane v3, v0;
	_ =	sdelay $0x1  }
0x11c: {  	v3 =	vperm.xlane v3, v2;
	v4 =	vadd.s32 v1, v4;
	_ =	sdelay $0x1  }
0x11d: {  	v3 =	vadd.s32 v1, v3;
	_ =	sdelay $0x1  }
0x11e: {  	s14 =	simm.s32 $0x13180  }
0x11f: {  	[tilespmem:s14], [sflag:$0x6] =	stream.indirect_vreg.gather [hbm4b:s1+s4], $0x80, v4, vm0, $0xb8;
	[tilespmem:$0x18180] =	vst v63  }
0x120: {  	s14 =	simm.s32 $0x13980  }
0x121: {  	[tilespmem:s14], [sflag:$0x6] =	stream.indirect_vreg.gather [hbm4b:s1+s4], $0x80, v3, vm0, $0xb8;
	[tilespmem:$0x18180] =	vst v63  }
0x122: {  	v3 =	vld [tilespmem:$0x140];
	_ =	sdelay $0x4  }
0x123: {  	v60 =	vshll.u32 v3, $0x1  }
0x124: {  	v3 =	vand.u32 $0x7, v3;
	v4 =	vand.u32 $0xFFFFFFF0, v60  }
0x125: {  	v3 =	vor.u32 v3, v4  }
0x126: {  	v4 =	vperm.xlane v3, v0;
	_ =	sdelay $0x1  }
0x127: {  	v3 =	vperm.xlane v3, v2;
	v4 =	vadd.s32 v1, v4;
	_ =	sdelay $0x1  }
0x128: {  	v3 =	vadd.s32 v1, v3;
	_ =	sdelay $0x2  }
0x129: {  	[tilespmem:s5], [sflag:$0x6] =	stream.indirect_vreg.gather [hbm4b:s1+s4], $0x80, v4, vm0, $0xb8;
	[tilespmem:$0x18180] =	vst v63  }
0x12a: {  	_ = 	snop  }
0x12b: {  	[tilespmem:s3], [sflag:$0x6] =	stream.indirect_vreg.gather [hbm4b:s1+s4], $0x80, v3, vm0, $0xb8;
	[tilespmem:$0x18180] =	vst v63  }
0x12c: {  	v3 =	vld [tilespmem:$0x150];
	_ =	sdelay $0x4  }
0x12d: {  	v61 =	vshll.u32 v3, $0x1  }
0x12e: {  	v3 =	vand.u32 $0x7, v3;
	v4 =	vand.u32 $0xFFFFFFF0, v61  }
0x12f: {  	v3 =	vor.u32 v3, v4  }
0x130: {  	v4 =	vperm.xlane v3, v0;
	_ =	sdelay $0x1  }
0x131: {  	v3 =	vperm.xlane v3, v2;
	v4 =	vadd.s32 v1, v4;
	_ =	sdelay $0x1  }
0x132: {  	v3 =	vadd.s32 v1, v3;
	_ =	sdelay $0x2  }
0x133: {  	[tilespmem:s16], [sflag:$0x6] =	stream.indirect_vreg.gather [hbm4b:s1+s4], $0x80, v4, vm0, $0xb8;
	[tilespmem:$0x18180] =	vst v63  }
0x134: {  	_ = 	snop  }
0x135: {  	[tilespmem:s17], [sflag:$0x6] =	stream.indirect_vreg.gather [hbm4b:s1+s4], $0x80, v3, vm0, $0xb8;
	[tilespmem:$0x18180] =	vst v63  }
0x136: {  	v3 =	vld [tilespmem:$0x160];
	_ =	sdelay $0x4  }
0x137: {  	v62 =	vshll.u32 v3, $0x1  }
0x138: {  	v3 =	vand.u32 $0x7, v3;
	v4 =	vand.u32 $0xFFFFFFF0, v62  }
0x139: {  	v3 =	vor.u32 v3, v4  }
0x13a: {  	v4 =	vperm.xlane v3, v0;
	_ =	sdelay $0x1  }
0x13b: {  	v3 =	vperm.xlane v3, v2;
	v4 =	vadd.s32 v1, v4;
	_ =	sdelay $0x1  }
0x13c: {  	v3 =	vadd.s32 v1, v3;
	_ =	sdelay $0x2  }
0x13d: {  	[tilespmem:s20], [sflag:$0x6] =	stream.indirect_vreg.gather [hbm4b:s1+s4], $0x80, v4, vm0, $0xb8;
	[tilespmem:$0x18180] =	vst v63  }
0x13e: {  	_ = 	snop  }
0x13f: {  	[tilespmem:s21], [sflag:$0x6] =	stream.indirect_vreg.gather [hbm4b:s1+s4], $0x80, v3, vm0, $0xb8;
	[tilespmem:$0x18180] =	vst v63  }
0x140: {  	v3 =	vld [tilespmem:$0x170];
	_ =	sdelay $0x4  }
0x141: {  	v63 =	vshll.u32 v3, $0x1  }
0x142: {  	v3 =	vand.u32 $0x7, v3;
	v4 =	vand.u32 $0xFFFFFFF0, v63  }
0x143: {  	v3 =	vor.u32 v3, v4  }
0x144: {  	v4 =	vperm.xlane v3, v0;
	_ =	sdelay $0x1  }
0x145: {  	v3 =	vperm.xlane v3, v2;
	v4 =	vadd.s32 v1, v4;
	_ =	sdelay $0x1  }
0x146: {  	v3 =	vadd.s32 v1, v3;
	_ =	sdelay $0x2  }
0x147: {  	[tilespmem:s22], [sflag:$0x6] =	stream.indirect_vreg.gather [hbm4b:s1+s4], $0x80, v4, vm0, $0xb8;
	[tilespmem:$0x18180] =	vst v63  }
0x148: {  	_ = 	snop  }
0x149: {  	[tilespmem:s23], [sflag:$0x6] =	stream.indirect_vreg.gather [hbm4b:s1+s4], $0x80, v3, vm0, $0xb8;
	[tilespmem:$0x18180] =	vst v63  }
.Ltmp2:
0x14a: {  	_ = 	snop;
	(pc) =	sbr.rel @p0 .LBB2_4-.Ltmp2, $4  }
0x14b: {  	_ =	swait.ge [sflag:s24], $0x8000  }
0x14c: {  	[sflag:s24] =	ssyncset.done $0x0  }
0x14d: {  	s14 =	sadd.s32 s12, s11;
	[sflag:s24] =	ssyncadd.s32 $0xFFFF8000  }
0x14e: {  	[hbm4b:s14+s4] =	stream.linear.scatter [tilespmem:s9], [sflag:$0x8], $0x8000, $0x38;
	[tilespmem:$0x18180] =	vst v63  }
0x14f: {  	s13 =	simm.s32 $0x80  }
0x150: {  	[tilespmem:s13], [sflag:$0x2] =	stream.linear.gather [hbm4b:s6+s4], $0x80, $0x38;
	[tilespmem:$0x18180] =	vst v63  }
0x151: {  	_ =	swait.ge [sflag:s18], $0x80  }
0x152: {  	[sflag:s18] =	ssyncset.done $0x0  }
0x153: {  	[sflag:s18] =	ssyncadd.s32 $0xFFFFFF80  }
0x154: {  	_ =	swait.ge [sflag:s26], $0x8000  }
0x155: {  	[sflag:s26] =	ssyncset.done $0x0  }
0x156: {  	[sflag:s26] =	ssyncadd.s32 $0xFFFF8000  }
0x157: {  	v3 =	vld [tilespmem:$0x0];
	_ =	sdelay $0x4  }
0x158: {  	v4 =	vshll.u32 v3, $0x1  }
0x159: {  	v3 =	vand.u32 $0x7, v3;
	v4 =	vand.u32 $0xFFFFFFF0, v4  }
0x15a: {  	v3 =	vor.u32 v3, v4  }
0x15b: {  	v4 =	vperm.xlane v3, v0;
	_ =	sdelay $0x1  }
0x15c: {  	v3 =	vperm.xlane v3, v2;
	v4 =	vadd.s32 v1, v4;
	_ =	sdelay $0x1  }
0x15d: {  	v3 =	vadd.s32 v1, v3;
	_ =	sdelay $0x2  }
0x15e: {  	[tilespmem:s19], [sflag:$0x4] =	stream.indirect_vreg.gather [hbm4b:s1+s4], $0x80, v4, vm0, $0xb8;
	[tilespmem:$0x18180] =	vst v63  }
0x15f: {  	s14 =	simm.s32 $0x980  }
0x160: {  	[tilespmem:s14], [sflag:$0x4] =	stream.indirect_vreg.gather [hbm4b:s1+s4], $0x80, v3, vm0, $0xb8;
	[tilespmem:$0x18180] =	vst v63  }
0x161: {  	v3 =	vld [tilespmem:$0x10];
	_ =	sdelay $0x4  }
0x162: {  	v49 =	vshll.u32 v3, $0x1  }
0x163: {  	v3 =	vand.u32 $0x7, v3;
	v4 =	vand.u32 $0xFFFFFFF0, v49  }
0x164: {  	v3 =	vor.u32 v3, v4  }
0x165: {  	v4 =	vperm.xlane v3, v0;
	_ =	sdelay $0x1  }
0x166: {  	v3 =	vperm.xlane v3, v2;
	v4 =	vadd.s32 v1, v4;
	_ =	sdelay $0x1  }
0x167: {  	v3 =	vadd.s32 v1, v3;
	_ =	sdelay $0x1  }
0x168: {  	s14 =	simm.s32 $0x1180  }
0x169: {  	[tilespmem:s14], [sflag:$0x4] =	stream.indirect_vreg.gather [hbm4b:s1+s4], $0x80, v4, vm0, $0xb8;
	[tilespmem:$0x18180] =	vst v63  }
0x16a: {  	s14 =	simm.s32 $0x1980  }
0x16b: {  	[tilespmem:s14], [sflag:$0x4] =	stream.indirect_vreg.gather [hbm4b:s1+s4], $0x80, v3, vm0, $0xb8;
	[tilespmem:$0x18180] =	vst v63  }
0x16c: {  	v3 =	vld [tilespmem:$0x20];
	_ =	sdelay $0x4  }
0x16d: {  	v50 =	vshll.u32 v3, $0x1  }
0x16e: {  	v3 =	vand.u32 $0x7, v3;
	v4 =	vand.u32 $0xFFFFFFF0, v50  }
0x16f: {  	v3 =	vor.u32 v3, v4  }
0x170: {  	v4 =	vperm.xlane v3, v0;
	_ =	sdelay $0x1  }
0x171: {  	v3 =	vperm.xlane v3, v2;
	v4 =	vadd.s32 v1, v4;
	_ =	sdelay $0x1  }
0x172: {  	v3 =	vadd.s32 v1, v3;
	_ =	sdelay $0x1  }
0x173: {  	s14 =	simm.s32 $0x2180  }
0x174: {  	[tilespmem:s14], [sflag:$0x4] =	stream.indirect_vreg.gather [hbm4b:s1+s4], $0x80, v4, vm0, $0xb8;
	[tilespmem:$0x18180] =	vst v63  }
0x175: {  	s14 =	simm.s32 $0x2980  }
0x176: {  	[tilespmem:s14], [sflag:$0x4] =	stream.indirect_vreg.gather [hbm4b:s1+s4], $0x80, v3, vm0, $0xb8;
	[tilespmem:$0x18180] =	vst v63  }
0x177: {  	v3 =	vld [tilespmem:$0x30];
	_ =	sdelay $0x4  }
0x178: {  	v51 =	vshll.u32 v3, $0x1  }
0x179: {  	v3 =	vand.u32 $0x7, v3;
	v4 =	vand.u32 $0xFFFFFFF0, v51  }
0x17a: {  	v3 =	vor.u32 v3, v4  }
0x17b: {  	v4 =	vperm.xlane v3, v0;
	_ =	sdelay $0x1  }
0x17c: {  	v3 =	vperm.xlane v3, v2;
	v4 =	vadd.s32 v1, v4;
	_ =	sdelay $0x1  }
0x17d: {  	v3 =	vadd.s32 v1, v3;
	_ =	sdelay $0x1  }
0x17e: {  	s14 =	simm.s32 $0x3180  }
0x17f: {  	[tilespmem:s14], [sflag:$0x4] =	stream.indirect_vreg.gather [hbm4b:s1+s4], $0x80, v4, vm0, $0xb8;
	[tilespmem:$0x18180] =	vst v63  }
0x180: {  	s14 =	simm.s32 $0x3980  }
0x181: {  	[tilespmem:s14], [sflag:$0x4] =	stream.indirect_vreg.gather [hbm4b:s1+s4], $0x80, v3, vm0, $0xb8;
	[tilespmem:$0x18180] =	vst v63  }
0x182: {  	v3 =	vld [tilespmem:$0x40];
	_ =	sdelay $0x4  }
0x183: {  	v52 =	vshll.u32 v3, $0x1  }
0x184: {  	v3 =	vand.u32 $0x7, v3;
	v4 =	vand.u32 $0xFFFFFFF0, v52  }
0x185: {  	v3 =	vor.u32 v3, v4  }
0x186: {  	v4 =	vperm.xlane v3, v0;
	_ =	sdelay $0x1  }
0x187: {  	v3 =	vperm.xlane v3, v2;
	v4 =	vadd.s32 v1, v4;
	_ =	sdelay $0x1  }
0x188: {  	v3 =	vadd.s32 v1, v3;
	_ =	sdelay $0x1  }
0x189: {  	s14 =	simm.s32 $0x4180  }
0x18a: {  	[tilespmem:s14], [sflag:$0x4] =	stream.indirect_vreg.gather [hbm4b:s1+s4], $0x80, v4, vm0, $0xb8;
	[tilespmem:$0x18180] =	vst v63  }
0x18b: {  	s14 =	simm.s32 $0x4980  }
0x18c: {  	[tilespmem:s14], [sflag:$0x4] =	stream.indirect_vreg.gather [hbm4b:s1+s4], $0x80, v3, vm0, $0xb8;
	[tilespmem:$0x18180] =	vst v63  }
0x18d: {  	v3 =	vld [tilespmem:$0x50];
	_ =	sdelay $0x4  }
0x18e: {  	v53 =	vshll.u32 v3, $0x1  }
0x18f: {  	v3 =	vand.u32 $0x7, v3;
	v4 =	vand.u32 $0xFFFFFFF0, v53  }
0x190: {  	v3 =	vor.u32 v3, v4  }
0x191: {  	v4 =	vperm.xlane v3, v0;
	_ =	sdelay $0x1  }
0x192: {  	v3 =	vperm.xlane v3, v2;
	v4 =	vadd.s32 v1, v4;
	_ =	sdelay $0x1  }
0x193: {  	v3 =	vadd.s32 v1, v3;
	_ =	sdelay $0x1  }
0x194: {  	s14 =	simm.s32 $0x5180  }
0x195: {  	[tilespmem:s14], [sflag:$0x4] =	stream.indirect_vreg.gather [hbm4b:s1+s4], $0x80, v4, vm0, $0xb8;
	[tilespmem:$0x18180] =	vst v63  }
0x196: {  	s14 =	simm.s32 $0x5980  }
0x197: {  	[tilespmem:s14], [sflag:$0x4] =	stream.indirect_vreg.gather [hbm4b:s1+s4], $0x80, v3, vm0, $0xb8;
	[tilespmem:$0x18180] =	vst v63  }
0x198: {  	v3 =	vld [tilespmem:$0x60];
	_ =	sdelay $0x4  }
0x199: {  	v54 =	vshll.u32 v3, $0x1  }
0x19a: {  	v3 =	vand.u32 $0x7, v3;
	v4 =	vand.u32 $0xFFFFFFF0, v54  }
0x19b: {  	v3 =	vor.u32 v3, v4  }
0x19c: {  	v4 =	vperm.xlane v3, v0;
	_ =	sdelay $0x1  }
0x19d: {  	v3 =	vperm.xlane v3, v2;
	v4 =	vadd.s32 v1, v4;
	_ =	sdelay $0x1  }
0x19e: {  	v3 =	vadd.s32 v1, v3;
	_ =	sdelay $0x1  }
0x19f: {  	s14 =	simm.s32 $0x6180  }
0x1a0: {  	[tilespmem:s14], [sflag:$0x4] =	stream.indirect_vreg.gather [hbm4b:s1+s4], $0x80, v4, vm0, $0xb8;
	[tilespmem:$0x18180] =	vst v63  }
0x1a1: {  	s14 =	simm.s32 $0x6980  }
0x1a2: {  	[tilespmem:s14], [sflag:$0x4] =	stream.indirect_vreg.gather [hbm4b:s1+s4], $0x80, v3, vm0, $0xb8;
	[tilespmem:$0x18180] =	vst v63  }
0x1a3: {  	v3 =	vld [tilespmem:$0x70];
	_ =	sdelay $0x4  }
0x1a4: {  	v55 =	vshll.u32 v3, $0x1  }
0x1a5: {  	v3 =	vand.u32 $0x7, v3;
	v4 =	vand.u32 $0xFFFFFFF0, v55  }
0x1a6: {  	v3 =	vor.u32 v3, v4  }
0x1a7: {  	v4 =	vperm.xlane v3, v0;
	_ =	sdelay $0x1  }
0x1a8: {  	v3 =	vperm.xlane v3, v2;
	v4 =	vadd.s32 v1, v4;
	_ =	sdelay $0x1  }
0x1a9: {  	v3 =	vadd.s32 v1, v3;
	_ =	sdelay $0x1  }
0x1aa: {  	s14 =	simm.s32 $0x7180  }
0x1ab: {  	[tilespmem:s14], [sflag:$0x4] =	stream.indirect_vreg.gather [hbm4b:s1+s4], $0x80, v4, vm0, $0xb8;
	[tilespmem:$0x18180] =	vst v63  }
0x1ac: {  	s14 =	simm.s32 $0x7980  }
0x1ad: {  	[tilespmem:s14], [sflag:$0x4] =	stream.indirect_vreg.gather [hbm4b:s1+s4], $0x80, v3, vm0, $0xb8;
	[tilespmem:$0x18180] =	vst v63  }
0x1ae: {  	_ =	swait.ge [sflag:s25], $0x8000  }
0x1af: {  	[sflag:s25] =	ssyncset.done $0x0  }
0x1b0: {  	s14 =	sadd.s32 s12, s10;
	[sflag:s25] =	ssyncadd.s32 $0xFFFF8000  }
0x1b1: {  	[hbm4b:s14+s4] =	stream.linear.scatter [tilespmem:s31], [sflag:$0x9], $0x8000, $0x38;
	[tilespmem:$0x18180] =	vst v63  }
0x1b2: {  	s14 =	simm.s32 $0x100  }
0x1b3: {  	[tilespmem:s14], [sflag:$0x3] =	stream.linear.gather [hbm4b:s7+s4], $0x80, $0x38;
	[tilespmem:$0x18180] =	vst v63  }
0x1b4: {  	_ =	swait.ge [sflag:s8], $0x80  }
0x1b5: {  	[sflag:s8] =	ssyncset.done $0x0  }
0x1b6: {  	[sflag:s8] =	ssyncadd.s32 $0xFFFFFF80  }
0x1b7: {  	_ =	swait.ge [sflag:s28], $0x8000  }
0x1b8: {  	[sflag:s28] =	ssyncset.done $0x0  }
0x1b9: {  	[sflag:s28] =	ssyncadd.s32 $0xFFFF8000  }
0x1ba: {  	v3 =	vld [tilespmem:$0x80];
	_ =	sdelay $0x4  }
0x1bb: {  	v56 =	vshll.u32 v3, $0x1  }
0x1bc: {  	v3 =	vand.u32 $0x7, v3;
	v4 =	vand.u32 $0xFFFFFFF0, v56  }
0x1bd: {  	v3 =	vor.u32 v3, v4  }
0x1be: {  	v4 =	vperm.xlane v3, v0;
	_ =	sdelay $0x1  }
0x1bf: {  	v3 =	vperm.xlane v3, v2;
	v4 =	vadd.s32 v1, v4;
	_ =	sdelay $0x1  }
0x1c0: {  	v3 =	vadd.s32 v1, v3;
	_ =	sdelay $0x2  }
0x1c1: {  	[tilespmem:s9], [sflag:$0x5] =	stream.indirect_vreg.gather [hbm4b:s1+s4], $0x80, v4, vm0, $0xb8;
	[tilespmem:$0x18180] =	vst v63  }
0x1c2: {  	s14 =	simm.s32 $0x8980  }
0x1c3: {  	[tilespmem:s14], [sflag:$0x5] =	stream.indirect_vreg.gather [hbm4b:s1+s4], $0x80, v3, vm0, $0xb8;
	[tilespmem:$0x18180] =	vst v63  }
0x1c4: {  	v3 =	vld [tilespmem:$0x90];
	_ =	sdelay $0x4  }
0x1c5: {  	v57 =	vshll.u32 v3, $0x1  }
0x1c6: {  	v3 =	vand.u32 $0x7, v3;
	v4 =	vand.u32 $0xFFFFFFF0, v57  }
0x1c7: {  	v3 =	vor.u32 v3, v4  }
0x1c8: {  	v4 =	vperm.xlane v3, v0;
	_ =	sdelay $0x1  }
0x1c9: {  	v3 =	vperm.xlane v3, v2;
	v4 =	vadd.s32 v1, v4;
	_ =	sdelay $0x1  }
0x1ca: {  	v3 =	vadd.s32 v1, v3;
	_ =	sdelay $0x1  }
0x1cb: {  	s14 =	simm.s32 $0x9180  }
0x1cc: {  	[tilespmem:s14], [sflag:$0x5] =	stream.indirect_vreg.gather [hbm4b:s1+s4], $0x80, v4, vm0, $0xb8;
	[tilespmem:$0x18180] =	vst v63  }
0x1cd: {  	s14 =	simm.s32 $0x9980  }
0x1ce: {  	[tilespmem:s14], [sflag:$0x5] =	stream.indirect_vreg.gather [hbm4b:s1+s4], $0x80, v3, vm0, $0xb8;
	[tilespmem:$0x18180] =	vst v63  }
0x1cf: {  	v3 =	vld [tilespmem:$0xA0];
	_ =	sdelay $0x4  }
0x1d0: {  	v58 =	vshll.u32 v3, $0x1  }
0x1d1: {  	v3 =	vand.u32 $0x7, v3;
	v4 =	vand.u32 $0xFFFFFFF0, v58  }
0x1d2: {  	v3 =	vor.u32 v3, v4  }
0x1d3: {  	v4 =	vperm.xlane v3, v0;
	_ =	sdelay $0x1  }
0x1d4: {  	v3 =	vperm.xlane v3, v2;
	v4 =	vadd.s32 v1, v4;
	_ =	sdelay $0x1  }
0x1d5: {  	v3 =	vadd.s32 v1, v3;
	_ =	sdelay $0x1  }
0x1d6: {  	s14 =	simm.s32 $0xA180  }
0x1d7: {  	[tilespmem:s14], [sflag:$0x5] =	stream.indirect_vreg.gather [hbm4b:s1+s4], $0x80, v4, vm0, $0xb8;
	[tilespmem:$0x18180] =	vst v63  }
0x1d8: {  	s14 =	simm.s32 $0xA980  }
0x1d9: {  	[tilespmem:s14], [sflag:$0x5] =	stream.indirect_vreg.gather [hbm4b:s1+s4], $0x80, v3, vm0, $0xb8;
	[tilespmem:$0x18180] =	vst v63  }
0x1da: {  	v3 =	vld [tilespmem:$0xB0];
	_ =	sdelay $0x4  }
0x1db: {  	v59 =	vshll.u32 v3, $0x1  }
0x1dc: {  	v3 =	vand.u32 $0x7, v3;
	v4 =	vand.u32 $0xFFFFFFF0, v59  }
0x1dd: {  	v3 =	vor.u32 v3, v4  }
0x1de: {  	v4 =	vperm.xlane v3, v0;
	_ =	sdelay $0x1  }
0x1df: {  	v3 =	vperm.xlane v3, v2;
	v4 =	vadd.s32 v1, v4;
	_ =	sdelay $0x1  }
0x1e0: {  	v3 =	vadd.s32 v1, v3;
	_ =	sdelay $0x1  }
0x1e1: {  	s14 =	simm.s32 $0xB180  }
0x1e2: {  	[tilespmem:s14], [sflag:$0x5] =	stream.indirect_vreg.gather [hbm4b:s1+s4], $0x80, v4, vm0, $0xb8;
	[tilespmem:$0x18180] =	vst v63  }
0x1e3: {  	s14 =	simm.s32 $0xB980  }
0x1e4: {  	[tilespmem:s14], [sflag:$0x5] =	stream.indirect_vreg.gather [hbm4b:s1+s4], $0x80, v3, vm0, $0xb8;
	[tilespmem:$0x18180] =	vst v63  }
0x1e5: {  	v3 =	vld [tilespmem:$0xC0];
	_ =	sdelay $0x4  }
0x1e6: {  	v60 =	vshll.u32 v3, $0x1  }
0x1e7: {  	v3 =	vand.u32 $0x7, v3;
	v4 =	vand.u32 $0xFFFFFFF0, v60  }
0x1e8: {  	v3 =	vor.u32 v3, v4  }
0x1e9: {  	v4 =	vperm.xlane v3, v0;
	_ =	sdelay $0x1  }
0x1ea: {  	v3 =	vperm.xlane v3, v2;
	v4 =	vadd.s32 v1, v4;
	_ =	sdelay $0x1  }
0x1eb: {  	v3 =	vadd.s32 v1, v3;
	_ =	sdelay $0x1  }
0x1ec: {  	s14 =	simm.s32 $0xC180  }
0x1ed: {  	[tilespmem:s14], [sflag:$0x5] =	stream.indirect_vreg.gather [hbm4b:s1+s4], $0x80, v4, vm0, $0xb8;
	[tilespmem:$0x18180] =	vst v63  }
0x1ee: {  	s14 =	simm.s32 $0xC980  }
0x1ef: {  	[tilespmem:s14], [sflag:$0x5] =	stream.indirect_vreg.gather [hbm4b:s1+s4], $0x80, v3, vm0, $0xb8;
	[tilespmem:$0x18180] =	vst v63  }
0x1f0: {  	v3 =	vld [tilespmem:$0xD0];
	_ =	sdelay $0x4  }
0x1f1: {  	v61 =	vshll.u32 v3, $0x1  }
0x1f2: {  	v3 =	vand.u32 $0x7, v3;
	v4 =	vand.u32 $0xFFFFFFF0, v61  }
0x1f3: {  	v3 =	vor.u32 v3, v4  }
0x1f4: {  	v4 =	vperm.xlane v3, v0;
	_ =	sdelay $0x1  }
0x1f5: {  	v3 =	vperm.xlane v3, v2;
	v4 =	vadd.s32 v1, v4;
	_ =	sdelay $0x1  }
0x1f6: {  	v3 =	vadd.s32 v1, v3;
	_ =	sdelay $0x1  }
0x1f7: {  	s14 =	simm.s32 $0xD180  }
0x1f8: {  	[tilespmem:s14], [sflag:$0x5] =	stream.indirect_vreg.gather [hbm4b:s1+s4], $0x80, v4, vm0, $0xb8;
	[tilespmem:$0x18180] =	vst v63  }
0x1f9: {  	s14 =	simm.s32 $0xD980  }
0x1fa: {  	[tilespmem:s14], [sflag:$0x5] =	stream.indirect_vreg.gather [hbm4b:s1+s4], $0x80, v3, vm0, $0xb8;
	[tilespmem:$0x18180] =	vst v63  }
0x1fb: {  	v3 =	vld [tilespmem:$0xE0];
	_ =	sdelay $0x4  }
0x1fc: {  	v62 =	vshll.u32 v3, $0x1  }
0x1fd: {  	v3 =	vand.u32 $0x7, v3;
	v4 =	vand.u32 $0xFFFFFFF0, v62  }
0x1fe: {  	v3 =	vor.u32 v3, v4  }
0x1ff: {  	v4 =	vperm.xlane v3, v0;
	_ =	sdelay $0x1  }
0x200: {  	v3 =	vperm.xlane v3, v2;
	v4 =	vadd.s32 v1, v4;
	_ =	sdelay $0x1  }
0x201: {  	v3 =	vadd.s32 v1, v3;
	_ =	sdelay $0x1  }
0x202: {  	s14 =	simm.s32 $0xE180  }
0x203: {  	[tilespmem:s14], [sflag:$0x5] =	stream.indirect_vreg.gather [hbm4b:s1+s4], $0x80, v4, vm0, $0xb8;
	[tilespmem:$0x18180] =	vst v63  }
0x204: {  	s14 =	simm.s32 $0xE980  }
0x205: {  	[tilespmem:s14], [sflag:$0x5] =	stream.indirect_vreg.gather [hbm4b:s1+s4], $0x80, v3, vm0, $0xb8;
	[tilespmem:$0x18180] =	vst v63  }
0x206: {  	v3 =	vld [tilespmem:$0xF0];
	_ =	sdelay $0x4  }
0x207: {  	v63 =	vshll.u32 v3, $0x1  }
0x208: {  	v3 =	vand.u32 $0x7, v3;
	v4 =	vand.u32 $0xFFFFFFF0, v63  }
0x209: {  	v3 =	vor.u32 v3, v4  }
0x20a: {  	v4 =	vperm.xlane v3, v0;
	_ =	sdelay $0x1  }
0x20b: {  	v3 =	vperm.xlane v3, v2;
	v4 =	vadd.s32 v1, v4;
	_ =	sdelay $0x1  }
0x20c: {  	v3 =	vadd.s32 v1, v3  }
.Ltmp3:
0x20d: {  	_ = 	snop;
	(pc) =	sbr.rel .LBB2_2-.Ltmp3, $4  }
0x20e: {  	s0 =	sadd.s32 $0x180, s0;
	s6 =	sadd.s32 $0x30, s6;
	s14 =	simm.s32 $0xF180  }
0x20f: {  	[tilespmem:s14], [sflag:$0x5] =	stream.indirect_vreg.gather [hbm4b:s1+s4], $0x80, v4, vm0, $0xb8;
	[tilespmem:$0x18180] =	vst v63  }
0x210: {  	s12 =	sadd.s32 $0x3000, s12;
	s7 =	sadd.s32 $0x30, s7;
	s14 =	simm.s32 $0xF980  }
0x211: {  	[tilespmem:s14], [sflag:$0x5] =	stream.indirect_vreg.gather [hbm4b:s1+s4], $0x80, v3, vm0, $0xb8;
	[tilespmem:$0x18180] =	vst v63  }
.LBB2_5:
0x212: {  	_ =	sfence.sel $0x180000  }
0x213: {  	[bflag:$0x0] =	sbarrier.arrive $0xFFFF  }
0x214: {  	_ =	strace $0x90000047  }
0x215: {  	s0 =	stileid.u32;
	[bflag:$0x2] =	sbarrier.arrive $0xFFFF  }
0x216: {  	p0 =	sne.s32 s0, $0x0;
	s0 =	rddreg [dreg:$0x3]  }
0x217: {  	s0 =	sadd.s32 @!p0 $0x100000, s0  }
0x218: {  	[sflag:s0] =	ssyncadd.tile.s32 @!p0 $0x1;
	_ =	shalt  }
.Lfunc_end2:
_tile_overlayer_lowered:
.L_overlay_start_2:
0x219: {  	(tag) =	ssettag $0x2  }
0x21a: {  	s0 =	rddreg [dreg:$0x0];
	s2 =	stileid.u32  }
0x21b: {  	s1 =	rddreg [dreg:$0x1];
	p0 =	sne.s32 s2, $0x0  }
0x21c: {  	s3 =	rddreg [dreg:$0x2];
	[bflag:$0x3] =	sbarrier.arrive $0xFFFF;
	s2 =	simm.s32 @!p0 $0x1C0A  }
0x21d: {  	[timem:s3], [sflag:s2] =	dma.local @!p0 [hbm:s0], s1  }
0x21e: {  	s0 =	simm.s32 @!p0 $0xA  }
0x21f: {  	_ =	swait.ge @!p0 [sflag:s0], s1  }
0x220: {  	s1 =	ssub.s32 @!p0 $0x0, s1;
	[sflag:s0] =	ssyncset.done @!p0 $0x0  }
0x221: {  	[sflag:s0] =	ssyncadd.s32 @!p0 s1  }
0x222: {  	[bflag:$0x3] =	sbarrier.arrive $0xFFFF  }
0x223: {  	_ =	shalt  }

</sc_bundles>
